<compile_context>
chip_gen: v7x
topology: tpu7x:2x2x1
jax: 0.10.2.dev20260603
libtpu: 0.0.44.dev20260713+nightly
codegen_flags: <defaults>
</compile_context>

<pallas_src>
import functools

import jax
import jax.numpy as jnp
from jax import lax
from jax.experimental import pallas as pl
from jax.experimental.pallas import tpu as pltpu
from jax.experimental.pallas import tpu_sc as plsc

_FIELD = 100000
_NF = 26
_D = 16
_ROWS = 16384
_BPW = 512
_CH = 256


@functools.cache
def _build():
    info = plsc.get_sparse_core_info()
    nc, ns = info.num_cores, info.num_subcores
    nw = nc * ns
    assert _ROWS == nw * _BPW
    nchunk = _BPW // _CH

    mesh = plsc.VectorSubcoreMesh(core_axis_name="c", subcore_axis_name="s")

    @functools.partial(
        pl.kernel,
        mesh=mesh,
        compiler_params=pltpu.CompilerParams(
            use_tc_tiling_on_sc=False, needs_layout_passes=False),
        out_type=jax.ShapeDtypeStruct((_NF, 2, 128, 8, 128), jnp.float32),
        scratch_types=[
            pltpu.VMEM((_NF, _BPW), jnp.int32),
            pltpu.VMEM((2, _CH), jnp.int32),
            pltpu.VMEM((2, _CH), jnp.int32),
            pltpu.VMEM((2, _CH, 128), jnp.float32),
            pltpu.VMEM((2, 2, 2, 8, 128), jnp.float32),
            pltpu.SemaphoreType.DMA,
            pltpu.SemaphoreType.DMA,
            pltpu.SemaphoreType.DMA,
        ],
    )
    def k(t8_hbm, xt_hbm, out_hbm, xv, srv, sbv, rowsv, outv,
          gsem0, gsem1, osem):
        wid = lax.axis_index("s") * nc + lax.axis_index("c")
        b0 = wid * _BPW
        btg0 = wid * (_BPW // 128)
        pltpu.sync_copy(xt_hbm.at[:, pl.ds(b0, _BPW)], xv)
        lane = lax.iota(jnp.int32, 16)

        def prep(k_, carry):
            f = k_ // nchunk
            h = lax.rem(k_, nchunk)
            buf = lax.rem(k_, 2)

            def add(g, carry2):
                s = pl.ds(g * 16, 16)
                adj = xv[f, pl.ds(h * _CH + g * 16, 16)] + f * _FIELD
                srv[buf, s] = lax.shift_right_logical(adj, 3)
                sbv[buf, s] = lax.shift_left(
                    lax.bitwise_and(adj, 7), 4)
                return carry2

            lax.fori_loop(0, _CH // 16, add, 0)
            return carry

        def gather_start(k_):
            buf = lax.rem(k_, 2)

            @pl.when(lax.rem(k_, 2) == 0)
            def _():
                pltpu.async_copy(t8_hbm.at[srv.at[0]], rowsv.at[0], gsem0)

            @pl.when(lax.rem(k_, 2) == 1)
            def _():
                pltpu.async_copy(t8_hbm.at[srv.at[1]], rowsv.at[1], gsem1)

        def gather_wait(k_):
            @pl.when(lax.rem(k_, 2) == 0)
            def _():
                pltpu.make_async_copy(
                    t8_hbm.at[srv.at[0]], rowsv.at[0], gsem0).wait()

            @pl.when(lax.rem(k_, 2) == 1)
            def _():
                pltpu.make_async_copy(
                    t8_hbm.at[srv.at[1]], rowsv.at[1], gsem1).wait()

        prep(0, 0)
        gather_start(0)

        def do_chunk(k_, carry):
            nk = k_ + 1
            buf = lax.rem(k_, 2)

            @pl.when(nk < _NF * nchunk)
            def _():
                prep(nk, 0)
                gather_start(nk)

            gather_wait(k_)
            f = k_ // nchunk
            h = lax.rem(k_, nchunk)

            @pl.when(k_ > 1)
            def _():
                pltpu.make_async_copy(
                    outv.at[buf], out_hbm.at[0, :, pl.ds(0, 2)], osem).wait()

            def trans(t, carry3):
                base = t * 16
                ridx = lane + base
                cidx0 = sbv[buf, pl.ds(base, 16)]
                bt = t // 8
                bg = lax.rem(t, 8)
                for cg in range(2):
                    for ch in range(8):
                        outv[buf, cg, bt, ch, pl.ds(bg * 16, 16)] = (
                            plsc.load_gather(
                                rowsv.at[buf], [ridx, cidx0 + (cg * 8 + ch)]))
                return carry3

            lax.fori_loop(0, _CH // 16, trans, 0)
            pltpu.async_copy(
                outv.at[buf],
                out_hbm.at[f, :, pl.ds(btg0 + h * 2, 2)], osem)
            return carry

        lax.fori_loop(0, _NF * nchunk, do_chunk, 0)
        pltpu.make_async_copy(
            outv.at[0], out_hbm.at[0, :, pl.ds(0, 2)], osem).wait()
        pltpu.make_async_copy(
            outv.at[1], out_hbm.at[0, :, pl.ds(0, 2)], osem).wait()

    return k


def kernel(x, table):
    k = _build()
    out5 = k(table.reshape(_FIELD * _NF // 8, 128), x.T)
    return out5.transpose(2, 4, 0, 1, 3).reshape(_ROWS, _NF, _D)

# --- scband reference (transcript-rebuilt; emitter-appended) ---
"""Pipeline reference for scband-features-embedding-26594437496966 (READ-ONLY COPY).

The authoritative reference and input builder live on the scoring server;
editing this copy changes nothing except your own understanding.
"""

import jax, jax.numpy as jnp
import numpy as np

FIELD_DIMS = [100000] * 26
EMBED_DIM = 16
BATCH = 16384


def setup_inputs(seed: int = 0) -> dict:
    key = jax.random.key(seed)
    k1, k2 = jax.random.split(key)
    x = jax.random.randint(k1, (BATCH, len(FIELD_DIMS)), 0, FIELD_DIMS[0], dtype=jnp.int32)
    total = int(sum(FIELD_DIMS))
    # xavier_uniform init for the embedding table
    bound = float(np.sqrt(6.0 / (total + EMBED_DIM)))
    table = jax.random.uniform(k2, (total, EMBED_DIM), minval=-bound, maxval=bound, dtype=jnp.float32)
    return {"x": x, "table": table}


def reference(x, table):
    # offsets = (0, cumsum(field_dims)[:-1])
    offsets = jnp.asarray(np.concatenate([[0], np.cumsum(FIELD_DIMS)[:-1]]), dtype=x.dtype)
    idx = x + offsets[None, :]
    return jnp.take(table, idx, axis=0)

if __name__ == "__main__":
    import jax
    _d = setup_inputs()
    print(jax.jit(kernel)(*tuple(_d.values())))

</pallas_src>

<mosaic_0001>
#map = affine_map<(d0, d1) -> (0, 0)>
#map1 = affine_map<(d0, d1) -> (0, 0, 0, 0, 0)>
module attributes {stable_mosaic.version = 14 : i64} {
  func.func @k(%arg0: i32, %arg1: i32, %arg2: memref<325000x128xf32, #tpu.memory_space<hbm>>, %arg3: memref<26x16384xi32, #tpu.memory_space<hbm>>, %arg4: memref<26x2x128x8x128xf32, #tpu.memory_space<hbm>>, %arg5: memref<26x512xi32, #tpu.memory_space<vmem>>, %arg6: memref<2x256xi32, #tpu.memory_space<vmem>>, %arg7: memref<2x256xi32, #tpu.memory_space<vmem>>, %arg8: memref<2x256x128xf32, #tpu.memory_space<vmem>>, %arg9: memref<2x2x2x8x128xf32, #tpu.memory_space<vmem>>, %arg10: memref<!tpu.dma_semaphore, #tpu.memory_space<semaphore_mem>>, %arg11: memref<!tpu.dma_semaphore, #tpu.memory_space<semaphore_mem>>, %arg12: memref<!tpu.dma_semaphore, #tpu.memory_space<semaphore_mem>>) attributes {dimension_semantics = [#tpu.dimension_semantics<core_parallel>, #tpu.dimension_semantics<subcore_parallel>], iteration_bounds = array<i64: 2, 16>, scalar_prefetch = 0 : i64, scratch_operands = 8 : i64, tpu.core_type = #tpu.core_type<sc_vector_subcore>, window_params = [{transform_indices = #map}, {transform_indices = #map}, {transform_indices = #map1}]} {
    %mul3A = arith.constant 2 : i32
    %mul3A_0 = arith.muli %arg1, %mul3A : i32
    %add3A = arith.addi %mul3A_0, %arg0 : i32
    %mul3A_1 = arith.constant 512 : i32
    %mul3A_2 = arith.muli %add3A, %mul3A_1 : i32
    %mul3A_3 = arith.constant 4 : i32
    %mul3A_4 = arith.muli %add3A, %mul3A_3 : i32
    "tpu.region"() ({
      %run_scoped3A = tpu.sem_alloc : memref<!tpu.dma_semaphore, #tpu.memory_space<semaphore_mem>>
      %dma_start3A = arith.constant 0 : i32
      %dma_start3A_88 = tpu.memref_slice %arg3[%dma_start3A, %mul3A_2] : memref<26x16384xi32, #tpu.memory_space<hbm>> -> memref<26x512xi32, #tpu.memory_space<hbm>>
      %dma_start3A_89 = arith.constant 0 : i32
      %dma_start3A_90 = tpu.memref_slice %arg3[%dma_start3A_89, %mul3A_2] : memref<26x16384xi32, #tpu.memory_space<hbm>> -> memref<26x512xi32, #tpu.memory_space<hbm>>
      tpu.enqueue_dma source(%dma_start3A_90 : memref<26x512xi32, #tpu.memory_space<hbm>>) target(%arg5 : memref<26x512xi32, #tpu.memory_space<vmem>>) target_semaphore(%run_scoped3A : memref<!tpu.dma_semaphore, #tpu.memory_space<semaphore_mem>>)
      %dma_wait3A_91 = arith.constant 0 : i32
      %dma_wait3A_92 = tpu.memref_slice %arg3[%dma_wait3A_91, %mul3A_2] : memref<26x16384xi32, #tpu.memory_space<hbm>> -> memref<26x512xi32, #tpu.memory_space<hbm>>
      %dma_wait3A_93 = arith.constant 0 : i32
      %dma_wait3A_94 = tpu.memref_slice %arg3[%dma_wait3A_93, %mul3A_2] : memref<26x16384xi32, #tpu.memory_space<hbm>> -> memref<26x512xi32, #tpu.memory_space<hbm>>
      tpu.wait_dma2 semaphore(%run_scoped3A : memref<!tpu.dma_semaphore, #tpu.memory_space<semaphore_mem>>) src(%dma_wait3A_94 : memref<26x512xi32, #tpu.memory_space<hbm>>) dst(%arg5 : memref<26x512xi32, #tpu.memory_space<vmem>>)
      tpu.yield
    }) : () -> ()
    %iota3A = tpu.iota {dimensions = array<i32: 0>} : vector<16xi32>
    %rem3A = arith.constant 0 : i32
    %rem3A_5 = arith.constant 2 : i32
    %rem3A_6 = arith.remsi %rem3A, %rem3A_5 : i32
    %rem3A_7 = arith.constant 0 : i32
    %rem3A_8 = arith.constant 2 : i32
    %rem3A_9 = arith.remsi %rem3A_7, %rem3A_8 : i32
    %scan3A = arith.constant 0 : i32
    %scan3A_10 = arith.constant 0 : i32
    %scan3A_11 = arith.constant 16 : i32
    %scan3A_12 = arith.addi %scan3A_10, %scan3A_11 : i32
    %scan3A_13 = arith.constant 1 : i32
    scf.for %scan3A_88 = %scan3A_10 to %scan3A_12 step %scan3A_13  : i32 {
      %mul3A_89 = arith.constant 16 : i32
      %mul3A_90 = arith.muli %scan3A_88, %mul3A_89 : i32
      %mul3A_91 = arith.constant 256 : i32
      %mul3A_92 = arith.muli %rem3A_6, %mul3A_91 : i32
      %mul3A_93 = arith.constant 16 : i32
      %mul3A_94 = arith.muli %scan3A_88, %mul3A_93 : i32
      %add3A_95 = arith.addi %mul3A_92, %mul3A_94 : i32
      %get3A = arith.constant 0 : i32
      %get3A_96 = arith.index_cast %get3A : i32 to index
      %get3A_97 = arith.index_cast %add3A_95 : i32 to index
      %get3A_98 = tpu.vector_load %arg5[%get3A_96, %get3A_97] {strides = array<i32>} : memref<26x512xi32, #tpu.memory_space<vmem>>, vector<16xi32>,
      %add3A_99 = arith.constant 0 : i32
      %add3A_100 = vector.broadcast %add3A_99 : i32 to vector<16xi32>
      %add3A_101 = arith.addi %get3A_98, %add3A_100 : vector<16xi32>
      %shift_right_logical3A = arith.constant 3 : i32
      %shift_right_logical3A_102 = vector.broadcast %shift_right_logical3A : i32 to vector<16xi32>
      %shift_right_logical3A_103 = arith.shrui %add3A_101, %shift_right_logical3A_102 : vector<16xi32>
      %swap3A = arith.index_cast %rem3A_9 : i32 to index
      %swap3A_104 = arith.index_cast %mul3A_90 : i32 to index
      %swap3A_105 = tpu.vector_load %arg6[%swap3A, %swap3A_104] {strides = array<i32>} : memref<2x256xi32, #tpu.memory_space<vmem>>, vector<16xi32>,
      tpu.vector_store %arg6[%swap3A, %swap3A_104], %shift_right_logical3A_103 {strides = array<i32>} : memref<2x256xi32, #tpu.memory_space<vmem>>, vector<16xi32>,
      %and3A = arith.constant 7 : i32
      %and3A_106 = vector.broadcast %and3A : i32 to vector<16xi32>
      %and3A_107 = arith.andi %add3A_101, %and3A_106 : vector<16xi32>
      %shift_left3A = arith.constant 4 : i32
      %shift_left3A_108 = vector.broadcast %shift_left3A : i32 to vector<16xi32>
      %shift_left3A_109 = arith.shli %and3A_107, %shift_left3A_108 : vector<16xi32>
      %swap3A_110 = arith.index_cast %rem3A_9 : i32 to index
      %swap3A_111 = arith.index_cast %mul3A_90 : i32 to index
      %swap3A_112 = tpu.vector_load %arg7[%swap3A_110, %swap3A_111] {strides = array<i32>} : memref<2x256xi32, #tpu.memory_space<vmem>>, vector<16xi32>,
      tpu.vector_store %arg7[%swap3A_110, %swap3A_111], %shift_left3A_109 {strides = array<i32>} : memref<2x256xi32, #tpu.memory_space<vmem>>, vector<16xi32>,
    }
    %scan3A_14 = arith.constant 16 : i32
    %rem3A_15 = arith.constant 0 : i32
    %rem3A_16 = arith.constant 2 : i32
    %rem3A_17 = arith.remsi %rem3A_15, %rem3A_16 : i32
    %rem3A_18 = arith.constant 0 : i32
    %rem3A_19 = arith.constant 2 : i32
    %rem3A_20 = arith.remsi %rem3A_18, %rem3A_19 : i32
    %eq3A = arith.constant 0 : i32
    %eq3A_21 = arith.cmpi eq, %rem3A_20, %eq3A : i32
    %convert_element_type3A = arith.extui %eq3A_21 : i1 to i32
    %cond3A = arith.constant 0 : i32
    %cond3A_22 = arith.cmpi ne, %convert_element_type3A, %cond3A : i32
    scf.if %cond3A_22 {
      %dma_start3A = arith.constant 0 : i32
      %dma_start3A_88 = arith.constant 0 : i32
      %dma_start3A_89 = arith.constant 0 : i32
      %dma_start3A_90 = arith.constant 0 : i32
      %dma_start3A_91 = tpu.memref_slice %arg8[%dma_start3A_88, %dma_start3A_89, %dma_start3A_90] : memref<2x256x128xf32, #tpu.memory_space<vmem>> -> memref<1x256x128xf32, #tpu.memory_space<vmem>>
      %dma_start3A_92 = tpu.memref_squeeze %dma_start3A_91 : memref<1x256x128xf32, #tpu.memory_space<vmem>> -> memref<256x128xf32, #tpu.memory_space<vmem>>
      %dma_start3A_93 = arith.constant 0 : i32
      %dma_start3A_94 = tpu.memref_slice %arg6[%dma_start3A, %dma_start3A_93] : memref<2x256xi32, #tpu.memory_space<vmem>> -> memref<1x256xi32, #tpu.memory_space<vmem>>
      %dma_start3A_95 = tpu.memref_squeeze %dma_start3A_94 : memref<1x256xi32, #tpu.memory_space<vmem>> -> memref<256xi32, #tpu.memory_space<vmem>>
      %dma_start3A_96 = arith.constant 0 : i32
      %dma_start3A_97 = arith.constant 0 : i32
      %dma_start3A_98 = tpu.memref_slice %arg2[%dma_start3A_96, %dma_start3A_97] : memref<325000x128xf32, #tpu.memory_space<hbm>> -> memref<325000x128xf32, #tpu.memory_space<hbm>>
      tpu.enqueue_indirect_dma source(%dma_start3A_98 : memref<325000x128xf32, #tpu.memory_space<hbm>>) target(%dma_start3A_92 : memref<256x128xf32, #tpu.memory_space<vmem>>) offsets(%dma_start3A_95 : memref<256xi32, #tpu.memory_space<vmem>>) semaphore(%arg10 : memref<!tpu.dma_semaphore, #tpu.memory_space<semaphore_mem>>)
    } else {
    }
    %rem3A_23 = arith.constant 0 : i32
    %rem3A_24 = arith.constant 2 : i32
    %rem3A_25 = arith.remsi %rem3A_23, %rem3A_24 : i32
    %eq3A_26 = arith.constant 1 : i32
    %eq3A_27 = arith.cmpi eq, %rem3A_25, %eq3A_26 : i32
    %convert_element_type3A_28 = arith.extui %eq3A_27 : i1 to i32
    %cond3A_29 = arith.constant 0 : i32
    %cond3A_30 = arith.cmpi ne, %convert_element_type3A_28, %cond3A_29 : i32
    scf.if %cond3A_30 {
      %dma_start3A = arith.constant 1 : i32
      %dma_start3A_88 = arith.constant 1 : i32
      %dma_start3A_89 = arith.constant 0 : i32
      %dma_start3A_90 = arith.constant 0 : i32
      %dma_start3A_91 = tpu.memref_slice %arg8[%dma_start3A_88, %dma_start3A_89, %dma_start3A_90] : memref<2x256x128xf32, #tpu.memory_space<vmem>> -> memref<1x256x128xf32, #tpu.memory_space<vmem>>
      %dma_start3A_92 = tpu.memref_squeeze %dma_start3A_91 : memref<1x256x128xf32, #tpu.memory_space<vmem>> -> memref<256x128xf32, #tpu.memory_space<vmem>>
      %dma_start3A_93 = arith.constant 0 : i32
      %dma_start3A_94 = tpu.memref_slice %arg6[%dma_start3A, %dma_start3A_93] : memref<2x256xi32, #tpu.memory_space<vmem>> -> memref<1x256xi32, #tpu.memory_space<vmem>>
      %dma_start3A_95 = tpu.memref_squeeze %dma_start3A_94 : memref<1x256xi32, #tpu.memory_space<vmem>> -> memref<256xi32, #tpu.memory_space<vmem>>
      %dma_start3A_96 = arith.constant 0 : i32
      %dma_start3A_97 = arith.constant 0 : i32
      %dma_start3A_98 = tpu.memref_slice %arg2[%dma_start3A_96, %dma_start3A_97] : memref<325000x128xf32, #tpu.memory_space<hbm>> -> memref<325000x128xf32, #tpu.memory_space<hbm>>
      tpu.enqueue_indirect_dma source(%dma_start3A_98 : memref<325000x128xf32, #tpu.memory_space<hbm>>) target(%dma_start3A_92 : memref<256x128xf32, #tpu.memory_space<vmem>>) offsets(%dma_start3A_95 : memref<256xi32, #tpu.memory_space<vmem>>) semaphore(%arg11 : memref<!tpu.dma_semaphore, #tpu.memory_space<semaphore_mem>>)
    } else {
    }
    %scan3A_31 = arith.constant 0 : i32
    %scan3A_32 = arith.constant 0 : i32
    %scan3A_33 = arith.constant 52 : i32
    %scan3A_34 = arith.addi %scan3A_32, %scan3A_33 : i32
    %scan3A_35 = arith.constant 1 : i32
    scf.for %scan3A_88 = %scan3A_32 to %scan3A_34 step %scan3A_35  : i32 {
      %add3A_89 = arith.constant 1 : i32
      %add3A_90 = arith.addi %scan3A_88, %add3A_89 : i32
      %rem3A_91 = arith.constant 2 : i32
      %rem3A_92 = arith.remsi %scan3A_88, %rem3A_91 : i32
      %lt3A = arith.constant 52 : i32
      %lt3A_93 = arith.cmpi slt, %add3A_90, %lt3A : i32
      %convert_element_type3A_94 = arith.extui %lt3A_93 : i1 to i32
      %cond3A_95 = arith.constant 0 : i32
      %cond3A_96 = arith.cmpi ne, %convert_element_type3A_94, %cond3A_95 : i32
      scf.if %cond3A_96 {
        %jit3A_164 = arith.constant 2 : i32
        %div3A_165 = arith.divsi %add3A_90, %jit3A_164 : i32
        %sign3A_166 = arith.constant 0 : i32
        %sign3A_167 = arith.cmpi sgt, %add3A_90, %sign3A_166 : i32
        %sign3A_168 = arith.extui %sign3A_167 : i1 to i32
        %sign3A_169 = arith.constant 0 : i32
        %sign3A_170 = arith.cmpi slt, %add3A_90, %sign3A_169 : i32
        %sign3A_171 = arith.extui %sign3A_170 : i1 to i32
        %sign3A_172 = arith.subi %sign3A_168, %sign3A_171 : i32
        %sign3A_173 = arith.constant 0 : i32
        %sign3A_174 = arith.cmpi sgt, %jit3A_164, %sign3A_173 : i32
        %sign3A_175 = arith.extui %sign3A_174 : i1 to i32
        %sign3A_176 = arith.constant 0 : i32
        %sign3A_177 = arith.cmpi slt, %jit3A_164, %sign3A_176 : i32
        %sign3A_178 = arith.extui %sign3A_177 : i1 to i32
        %sign3A_179 = arith.subi %sign3A_175, %sign3A_178 : i32
        %ne3A_180 = arith.cmpi ne, %sign3A_172, %sign3A_179 : i32
        %rem3A_181 = arith.remsi %add3A_90, %jit3A_164 : i32
        %ne3A_182 = arith.constant 0 : i32
        %ne3A_183 = arith.cmpi ne, %rem3A_181, %ne3A_182 : i32
        %and3A_184 = arith.andi %ne3A_180, %ne3A_183 : i1
        %sub3A_185 = arith.constant 1 : i32
        %sub3A_186 = arith.subi %div3A_165, %sub3A_185 : i32
        %select_n3A_187 = arith.select %and3A_184, %sub3A_186, %div3A_165 : i32
        %rem3A_188 = arith.constant 2 : i32
        %rem3A_189 = arith.remsi %add3A_90, %rem3A_188 : i32
        %rem3A_190 = arith.constant 2 : i32
        %rem3A_191 = arith.remsi %add3A_90, %rem3A_190 : i32
        %scan3A_192 = arith.constant 0 : i32
        %scan3A_193 = arith.constant 0 : i32
        %scan3A_194 = arith.constant 16 : i32
        %scan3A_195 = arith.addi %scan3A_193, %scan3A_194 : i32
        %scan3A_196 = arith.constant 1 : i32
        scf.for %scan3A_214 = %scan3A_193 to %scan3A_195 step %scan3A_196  : i32 {
          %mul3A_215 = arith.constant 16 : i32
          %mul3A_216 = arith.muli %scan3A_214, %mul3A_215 : i32
          %mul3A_217 = arith.constant 256 : i32
          %mul3A_218 = arith.muli %rem3A_189, %mul3A_217 : i32
          %mul3A_219 = arith.constant 16 : i32
          %mul3A_220 = arith.muli %scan3A_214, %mul3A_219 : i32
          %add3A_221 = arith.addi %mul3A_218, %mul3A_220 : i32
          %get3A = arith.index_cast %select_n3A_187 : i32 to index
          %get3A_222 = arith.index_cast %add3A_221 : i32 to index
          %get3A_223 = tpu.vector_load %arg5[%get3A, %get3A_222] {strides = array<i32>} : memref<26x512xi32, #tpu.memory_space<vmem>>, vector<16xi32>,
          %mul3A_224 = arith.constant 100000 : i32
          %mul3A_225 = arith.muli %select_n3A_187, %mul3A_224 : i32
          %add3A_226 = vector.broadcast %mul3A_225 : i32 to vector<16xi32>
          %add3A_227 = arith.addi %get3A_223, %add3A_226 : vector<16xi32>
          %shift_right_logical3A = arith.constant 3 : i32
          %shift_right_logical3A_228 = vector.broadcast %shift_right_logical3A : i32 to vector<16xi32>
          %shift_right_logical3A_229 = arith.shrui %add3A_227, %shift_right_logical3A_228 : vector<16xi32>
          %swap3A = arith.index_cast %rem3A_191 : i32 to index
          %swap3A_230 = arith.index_cast %mul3A_216 : i32 to index
          %swap3A_231 = tpu.vector_load %arg6[%swap3A, %swap3A_230] {strides = array<i32>} : memref<2x256xi32, #tpu.memory_space<vmem>>, vector<16xi32>,
          tpu.vector_store %arg6[%swap3A, %swap3A_230], %shift_right_logical3A_229 {strides = array<i32>} : memref<2x256xi32, #tpu.memory_space<vmem>>, vector<16xi32>,
          %and3A_232 = arith.constant 7 : i32
          %and3A_233 = vector.broadcast %and3A_232 : i32 to vector<16xi32>
          %and3A_234 = arith.andi %add3A_227, %and3A_233 : vector<16xi32>
          %shift_left3A = arith.constant 4 : i32
          %shift_left3A_235 = vector.broadcast %shift_left3A : i32 to vector<16xi32>
          %shift_left3A_236 = arith.shli %and3A_234, %shift_left3A_235 : vector<16xi32>
          %swap3A_237 = arith.index_cast %rem3A_191 : i32 to index
          %swap3A_238 = arith.index_cast %mul3A_216 : i32 to index
          %swap3A_239 = tpu.vector_load %arg7[%swap3A_237, %swap3A_238] {strides = array<i32>} : memref<2x256xi32, #tpu.memory_space<vmem>>, vector<16xi32>,
          tpu.vector_store %arg7[%swap3A_237, %swap3A_238], %shift_left3A_236 {strides = array<i32>} : memref<2x256xi32, #tpu.memory_space<vmem>>, vector<16xi32>,
        }
        %scan3A_197 = arith.constant 16 : i32
        %rem3A_198 = arith.constant 2 : i32
        %rem3A_199 = arith.remsi %add3A_90, %rem3A_198 : i32
        %rem3A_200 = arith.constant 2 : i32
        %rem3A_201 = arith.remsi %add3A_90, %rem3A_200 : i32
        %eq3A_202 = arith.constant 0 : i32
        %eq3A_203 = arith.cmpi eq, %rem3A_201, %eq3A_202 : i32
        %convert_element_type3A_204 = arith.extui %eq3A_203 : i1 to i32
        %cond3A_205 = arith.constant 0 : i32
        %cond3A_206 = arith.cmpi ne, %convert_element_type3A_204, %cond3A_205 : i32
        scf.if %cond3A_206 {
          %dma_start3A_214 = arith.constant 0 : i32
          %dma_start3A_215 = arith.constant 0 : i32
          %dma_start3A_216 = arith.constant 0 : i32
          %dma_start3A_217 = arith.constant 0 : i32
          %dma_start3A_218 = tpu.memref_slice %arg8[%dma_start3A_215, %dma_start3A_216, %dma_start3A_217] : memref<2x256x128xf32, #tpu.memory_space<vmem>> -> memref<1x256x128xf32, #tpu.memory_space<vmem>>
          %dma_start3A_219 = tpu.memref_squeeze %dma_start3A_218 : memref<1x256x128xf32, #tpu.memory_space<vmem>> -> memref<256x128xf32, #tpu.memory_space<vmem>>
          %dma_start3A_220 = arith.constant 0 : i32
          %dma_start3A_221 = tpu.memref_slice %arg6[%dma_start3A_214, %dma_start3A_220] : memref<2x256xi32, #tpu.memory_space<vmem>> -> memref<1x256xi32, #tpu.memory_space<vmem>>
          %dma_start3A_222 = tpu.memref_squeeze %dma_start3A_221 : memref<1x256xi32, #tpu.memory_space<vmem>> -> memref<256xi32, #tpu.memory_space<vmem>>
          %dma_start3A_223 = arith.constant 0 : i32
          %dma_start3A_224 = arith.constant 0 : i32
          %dma_start3A_225 = tpu.memref_slice %arg2[%dma_start3A_223, %dma_start3A_224] : memref<325000x128xf32, #tpu.memory_space<hbm>> -> memref<325000x128xf32, #tpu.memory_space<hbm>>
          tpu.enqueue_indirect_dma source(%dma_start3A_225 : memref<325000x128xf32, #tpu.memory_space<hbm>>) target(%dma_start3A_219 : memref<256x128xf32, #tpu.memory_space<vmem>>) offsets(%dma_start3A_222 : memref<256xi32, #tpu.memory_space<vmem>>) semaphore(%arg10 : memref<!tpu.dma_semaphore, #tpu.memory_space<semaphore_mem>>)
        } else {
        }
        %rem3A_207 = arith.constant 2 : i32
        %rem3A_208 = arith.remsi %add3A_90, %rem3A_207 : i32
        %eq3A_209 = arith.constant 1 : i32
        %eq3A_210 = arith.cmpi eq, %rem3A_208, %eq3A_209 : i32
        %convert_element_type3A_211 = arith.extui %eq3A_210 : i1 to i32
        %cond3A_212 = arith.constant 0 : i32
        %cond3A_213 = arith.cmpi ne, %convert_element_type3A_211, %cond3A_212 : i32
        scf.if %cond3A_213 {
          %dma_start3A_214 = arith.constant 1 : i32
          %dma_start3A_215 = arith.constant 1 : i32
          %dma_start3A_216 = arith.constant 0 : i32
          %dma_start3A_217 = arith.constant 0 : i32
          %dma_start3A_218 = tpu.memref_slice %arg8[%dma_start3A_215, %dma_start3A_216, %dma_start3A_217] : memref<2x256x128xf32, #tpu.memory_space<vmem>> -> memref<1x256x128xf32, #tpu.memory_space<vmem>>
          %dma_start3A_219 = tpu.memref_squeeze %dma_start3A_218 : memref<1x256x128xf32, #tpu.memory_space<vmem>> -> memref<256x128xf32, #tpu.memory_space<vmem>>
          %dma_start3A_220 = arith.constant 0 : i32
          %dma_start3A_221 = tpu.memref_slice %arg6[%dma_start3A_214, %dma_start3A_220] : memref<2x256xi32, #tpu.memory_space<vmem>> -> memref<1x256xi32, #tpu.memory_space<vmem>>
          %dma_start3A_222 = tpu.memref_squeeze %dma_start3A_221 : memref<1x256xi32, #tpu.memory_space<vmem>> -> memref<256xi32, #tpu.memory_space<vmem>>
          %dma_start3A_223 = arith.constant 0 : i32
          %dma_start3A_224 = arith.constant 0 : i32
          %dma_start3A_225 = tpu.memref_slice %arg2[%dma_start3A_223, %dma_start3A_224] : memref<325000x128xf32, #tpu.memory_space<hbm>> -> memref<325000x128xf32, #tpu.memory_space<hbm>>
          tpu.enqueue_indirect_dma source(%dma_start3A_225 : memref<325000x128xf32, #tpu.memory_space<hbm>>) target(%dma_start3A_219 : memref<256x128xf32, #tpu.memory_space<vmem>>) offsets(%dma_start3A_222 : memref<256xi32, #tpu.memory_space<vmem>>) semaphore(%arg11 : memref<!tpu.dma_semaphore, #tpu.memory_space<semaphore_mem>>)
        } else {
        }
      } else {
      }
      %rem3A_97 = arith.constant 2 : i32
      %rem3A_98 = arith.remsi %scan3A_88, %rem3A_97 : i32
      %eq3A_99 = arith.constant 0 : i32
      %eq3A_100 = arith.cmpi eq, %rem3A_98, %eq3A_99 : i32
      %convert_element_type3A_101 = arith.extui %eq3A_100 : i1 to i32
      %cond3A_102 = arith.constant 0 : i32
      %cond3A_103 = arith.cmpi ne, %convert_element_type3A_101, %cond3A_102 : i32
      scf.if %cond3A_103 {
        %dma_wait3A_164 = arith.constant 0 : i32
        %dma_wait3A_165 = arith.constant 0 : i32
        %dma_wait3A_166 = arith.constant 0 : i32
        %dma_wait3A_167 = arith.constant 0 : i32
        %dma_wait3A_168 = tpu.memref_slice %arg8[%dma_wait3A_165, %dma_wait3A_166, %dma_wait3A_167] : memref<2x256x128xf32, #tpu.memory_space<vmem>> -> memref<1x256x128xf32, #tpu.memory_space<vmem>>
        %dma_wait3A_169 = tpu.memref_squeeze %dma_wait3A_168 : memref<1x256x128xf32, #tpu.memory_space<vmem>> -> memref<256x128xf32, #tpu.memory_space<vmem>>
        %dma_wait3A_170 = arith.constant 0 : i32
        %dma_wait3A_171 = tpu.memref_slice %arg6[%dma_wait3A_164, %dma_wait3A_170] : memref<2x256xi32, #tpu.memory_space<vmem>> -> memref<1x256xi32, #tpu.memory_space<vmem>>
        %dma_wait3A_172 = tpu.memref_squeeze %dma_wait3A_171 : memref<1x256xi32, #tpu.memory_space<vmem>> -> memref<256xi32, #tpu.memory_space<vmem>>
        %dma_wait3A_173 = arith.constant 0 : i32
        %dma_wait3A_174 = arith.constant 0 : i32
        %dma_wait3A_175 = tpu.memref_slice %arg2[%dma_wait3A_173, %dma_wait3A_174] : memref<325000x128xf32, #tpu.memory_space<hbm>> -> memref<325000x128xf32, #tpu.memory_space<hbm>>
        tpu.wait_indirect_dma semaphore(%arg10 : memref<!tpu.dma_semaphore, #tpu.memory_space<semaphore_mem>>) src(%dma_wait3A_175 : memref<325000x128xf32, #tpu.memory_space<hbm>>) dst(%dma_wait3A_169 : memref<256x128xf32, #tpu.memory_space<vmem>>)
      } else {
      }
      %rem3A_104 = arith.constant 2 : i32
      %rem3A_105 = arith.remsi %scan3A_88, %rem3A_104 : i32
      %eq3A_106 = arith.constant 1 : i32
      %eq3A_107 = arith.cmpi eq, %rem3A_105, %eq3A_106 : i32
      %convert_element_type3A_108 = arith.extui %eq3A_107 : i1 to i32
      %cond3A_109 = arith.constant 0 : i32
      %cond3A_110 = arith.cmpi ne, %convert_element_type3A_108, %cond3A_109 : i32
      scf.if %cond3A_110 {
        %dma_wait3A_164 = arith.constant 1 : i32
        %dma_wait3A_165 = arith.constant 1 : i32
        %dma_wait3A_166 = arith.constant 0 : i32
        %dma_wait3A_167 = arith.constant 0 : i32
        %dma_wait3A_168 = tpu.memref_slice %arg8[%dma_wait3A_165, %dma_wait3A_166, %dma_wait3A_167] : memref<2x256x128xf32, #tpu.memory_space<vmem>> -> memref<1x256x128xf32, #tpu.memory_space<vmem>>
        %dma_wait3A_169 = tpu.memref_squeeze %dma_wait3A_168 : memref<1x256x128xf32, #tpu.memory_space<vmem>> -> memref<256x128xf32, #tpu.memory_space<vmem>>
        %dma_wait3A_170 = arith.constant 0 : i32
        %dma_wait3A_171 = tpu.memref_slice %arg6[%dma_wait3A_164, %dma_wait3A_170] : memref<2x256xi32, #tpu.memory_space<vmem>> -> memref<1x256xi32, #tpu.memory_space<vmem>>
        %dma_wait3A_172 = tpu.memref_squeeze %dma_wait3A_171 : memref<1x256xi32, #tpu.memory_space<vmem>> -> memref<256xi32, #tpu.memory_space<vmem>>
        %dma_wait3A_173 = arith.constant 0 : i32
        %dma_wait3A_174 = arith.constant 0 : i32
        %dma_wait3A_175 = tpu.memref_slice %arg2[%dma_wait3A_173, %dma_wait3A_174] : memref<325000x128xf32, #tpu.memory_space<hbm>> -> memref<325000x128xf32, #tpu.memory_space<hbm>>
        tpu.wait_indirect_dma semaphore(%arg11 : memref<!tpu.dma_semaphore, #tpu.memory_space<semaphore_mem>>) src(%dma_wait3A_175 : memref<325000x128xf32, #tpu.memory_space<hbm>>) dst(%dma_wait3A_169 : memref<256x128xf32, #tpu.memory_space<vmem>>)
      } else {
      }
      %jit3A = arith.constant 2 : i32
      %div3A = arith.divsi %scan3A_88, %jit3A : i32
      %sign3A = arith.constant 0 : i32
      %sign3A_111 = arith.cmpi sgt, %scan3A_88, %sign3A : i32
      %sign3A_112 = arith.extui %sign3A_111 : i1 to i32
      %sign3A_113 = arith.constant 0 : i32
      %sign3A_114 = arith.cmpi slt, %scan3A_88, %sign3A_113 : i32
      %sign3A_115 = arith.extui %sign3A_114 : i1 to i32
      %sign3A_116 = arith.subi %sign3A_112, %sign3A_115 : i32
      %sign3A_117 = arith.constant 0 : i32
      %sign3A_118 = arith.cmpi sgt, %jit3A, %sign3A_117 : i32
      %sign3A_119 = arith.extui %sign3A_118 : i1 to i32
      %sign3A_120 = arith.constant 0 : i32
      %sign3A_121 = arith.cmpi slt, %jit3A, %sign3A_120 : i32
      %sign3A_122 = arith.extui %sign3A_121 : i1 to i32
      %sign3A_123 = arith.subi %sign3A_119, %sign3A_122 : i32
      %ne3A = arith.cmpi ne, %sign3A_116, %sign3A_123 : i32
      %rem3A_124 = arith.remsi %scan3A_88, %jit3A : i32
      %ne3A_125 = arith.constant 0 : i32
      %ne3A_126 = arith.cmpi ne, %rem3A_124, %ne3A_125 : i32
      %and3A = arith.andi %ne3A, %ne3A_126 : i1
      %sub3A = arith.constant 1 : i32
      %sub3A_127 = arith.subi %div3A, %sub3A : i32
      %select_n3A = arith.select %and3A, %sub3A_127, %div3A : i32
      %rem3A_128 = arith.constant 2 : i32
      %rem3A_129 = arith.remsi %scan3A_88, %rem3A_128 : i32
      %gt3A = arith.constant 1 : i32
      %gt3A_130 = arith.cmpi sgt, %scan3A_88, %gt3A : i32
      %convert_element_type3A_131 = arith.extui %gt3A_130 : i1 to i32
      %cond3A_132 = arith.constant 0 : i32
      %cond3A_133 = arith.cmpi ne, %convert_element_type3A_131, %cond3A_132 : i32
      scf.if %cond3A_133 {
        %dma_wait3A_164 = arith.constant 0 : i32
        %dma_wait3A_165 = arith.constant 0 : i32
        %dma_wait3A_166 = arith.constant 0 : i32
        %dma_wait3A_167 = arith.constant 0 : i32
        %dma_wait3A_168 = arith.constant 0 : i32
        %dma_wait3A_169 = tpu.memref_slice %arg9[%rem3A_92, %dma_wait3A_165, %dma_wait3A_166, %dma_wait3A_167, %dma_wait3A_168] : memref<2x2x2x8x128xf32, #tpu.memory_space<vmem>> -> memref<1x2x2x8x128xf32, #tpu.memory_space<vmem>>
        %dma_wait3A_170 = tpu.memref_squeeze %dma_wait3A_169 : memref<1x2x2x8x128xf32, #tpu.memory_space<vmem>> -> memref<2x2x8x128xf32, #tpu.memory_space<vmem>>
        %dma_wait3A_171 = arith.constant 0 : i32
        %dma_wait3A_172 = arith.constant 0 : i32
        %dma_wait3A_173 = arith.constant 0 : i32
        %dma_wait3A_174 = arith.constant 0 : i32
        %dma_wait3A_175 = tpu.memref_slice %arg4[%dma_wait3A_164, %dma_wait3A_171, %dma_wait3A_172, %dma_wait3A_173, %dma_wait3A_174] : memref<26x2x128x8x128xf32, #tpu.memory_space<hbm>> -> memref<1x2x2x8x128xf32, #tpu.memory_space<hbm>>
        %dma_wait3A_176 = tpu.memref_squeeze %dma_wait3A_175 : memref<1x2x2x8x128xf32, #tpu.memory_space<hbm>> -> memref<2x2x8x128xf32, #tpu.memory_space<hbm>>
        %dma_wait3A_177 = arith.constant 0 : i32
        %dma_wait3A_178 = arith.constant 0 : i32
        %dma_wait3A_179 = arith.constant 0 : i32
        %dma_wait3A_180 = arith.constant 0 : i32
        %dma_wait3A_181 = tpu.memref_slice %arg4[%dma_wait3A_164, %dma_wait3A_177, %dma_wait3A_178, %dma_wait3A_179, %dma_wait3A_180] : memref<26x2x128x8x128xf32, #tpu.memory_space<hbm>> -> memref<1x2x2x8x128xf32, #tpu.memory_space<hbm>>
        %dma_wait3A_182 = tpu.memref_squeeze %dma_wait3A_181 : memref<1x2x2x8x128xf32, #tpu.memory_space<hbm>> -> memref<2x2x8x128xf32, #tpu.memory_space<hbm>>
        %dma_wait3A_183 = arith.constant 0 : i32
        %dma_wait3A_184 = arith.constant 0 : i32
        %dma_wait3A_185 = arith.constant 0 : i32
        %dma_wait3A_186 = arith.constant 0 : i32
        %dma_wait3A_187 = tpu.memref_slice %arg9[%rem3A_92, %dma_wait3A_183, %dma_wait3A_184, %dma_wait3A_185, %dma_wait3A_186] : memref<2x2x2x8x128xf32, #tpu.memory_space<vmem>> -> memref<1x2x2x8x128xf32, #tpu.memory_space<vmem>>
        %dma_wait3A_188 = tpu.memref_squeeze %dma_wait3A_187 : memref<1x2x2x8x128xf32, #tpu.memory_space<vmem>> -> memref<2x2x8x128xf32, #tpu.memory_space<vmem>>
        tpu.wait_dma2 semaphore(%arg12 : memref<!tpu.dma_semaphore, #tpu.memory_space<semaphore_mem>>) src(%dma_wait3A_188 : memref<2x2x8x128xf32, #tpu.memory_space<vmem>>) dst(%dma_wait3A_182 : memref<2x2x8x128xf32, #tpu.memory_space<hbm>>)
      } else {
      }
      %scan3A_134 = arith.constant 0 : i32
      %scan3A_135 = arith.constant 0 : i32
      %scan3A_136 = arith.constant 16 : i32
      %scan3A_137 = arith.addi %scan3A_135, %scan3A_136 : i32
      %scan3A_138 = arith.constant 1 : i32
      scf.for %scan3A_164 = %scan3A_135 to %scan3A_137 step %scan3A_138  : i32 {
        %mul3A_165 = arith.constant 16 : i32
        %mul3A_166 = arith.muli %scan3A_164, %mul3A_165 : i32
        %add3A_167 = vector.broadcast %mul3A_166 : i32 to vector<16xi32>
        %add3A_168 = arith.addi %iota3A, %add3A_167 : vector<16xi32>
        %get3A = arith.index_cast %rem3A_92 : i32 to index
        %get3A_169 = arith.index_cast %mul3A_166 : i32 to index
        %get3A_170 = tpu.vector_load %arg7[%get3A, %get3A_169] {strides = array<i32>} : memref<2x256xi32, #tpu.memory_space<vmem>>, vector<16xi32>,
        %jit3A_171 = arith.constant 8 : i32
        %div3A_172 = arith.divsi %scan3A_164, %jit3A_171 : i32
        %sign3A_173 = arith.constant 0 : i32
        %sign3A_174 = arith.cmpi sgt, %scan3A_164, %sign3A_173 : i32
        %sign3A_175 = arith.extui %sign3A_174 : i1 to i32
        %sign3A_176 = arith.constant 0 : i32
        %sign3A_177 = arith.cmpi slt, %scan3A_164, %sign3A_176 : i32
        %sign3A_178 = arith.extui %sign3A_177 : i1 to i32
        %sign3A_179 = arith.subi %sign3A_175, %sign3A_178 : i32
        %sign3A_180 = arith.constant 0 : i32
        %sign3A_181 = arith.cmpi sgt, %jit3A_171, %sign3A_180 : i32
        %sign3A_182 = arith.extui %sign3A_181 : i1 to i32
        %sign3A_183 = arith.constant 0 : i32
        %sign3A_184 = arith.cmpi slt, %jit3A_171, %sign3A_183 : i32
        %sign3A_185 = arith.extui %sign3A_184 : i1 to i32
        %sign3A_186 = arith.subi %sign3A_182, %sign3A_185 : i32
        %ne3A_187 = arith.cmpi ne, %sign3A_179, %sign3A_186 : i32
        %rem3A_188 = arith.remsi %scan3A_164, %jit3A_171 : i32
        %ne3A_189 = arith.constant 0 : i32
        %ne3A_190 = arith.cmpi ne, %rem3A_188, %ne3A_189 : i32
        %and3A_191 = arith.andi %ne3A_187, %ne3A_190 : i1
        %sub3A_192 = arith.constant 1 : i32
        %sub3A_193 = arith.subi %div3A_172, %sub3A_192 : i32
        %select_n3A_194 = arith.select %and3A_191, %sub3A_193, %div3A_172 : i32
        %rem3A_195 = arith.constant 8 : i32
        %rem3A_196 = arith.remsi %scan3A_164, %rem3A_195 : i32
        %add3A_197 = arith.constant 0 : i32
        %add3A_198 = vector.broadcast %add3A_197 : i32 to vector<16xi32>
        %add3A_199 = arith.addi %get3A_170, %add3A_198 : vector<16xi32>
        %gather3A = arith.constant 0 : i32
        %gather3A_200 = arith.constant 0 : i32
        %gather3A_201 = tpu.memref_slice %arg8[%rem3A_92, %gather3A, %gather3A_200] : memref<2x256x128xf32, #tpu.memory_space<vmem>> -> memref<1x256x128xf32, #tpu.memory_space<vmem>>
        %gather3A_202 = tpu.memref_squeeze %gather3A_201 : memref<1x256x128xf32, #tpu.memory_space<vmem>> -> memref<256x128xf32, #tpu.memory_space<vmem>>
        %gather3A_203 = tpu.vector_load_idx %gather3A_202[%add3A_168, %add3A_199] : memref<256x128xf32, #tpu.memory_space<vmem>>[vector<16xi32>, vector<16xi32>], vector<16xf32>,
        %mul3A_204 = arith.constant 16 : i32
        %mul3A_205 = arith.muli %rem3A_196, %mul3A_204 : i32
        %swap3A = arith.constant 0 : i32
        %swap3A_206 = arith.constant 0 : i32
        %swap3A_207 = arith.index_cast %rem3A_92 : i32 to index
        %swap3A_208 = arith.index_cast %swap3A : i32 to index
        %swap3A_209 = arith.index_cast %select_n3A_194 : i32 to index
        %swap3A_210 = arith.index_cast %swap3A_206 : i32 to index
        %swap3A_211 = arith.index_cast %mul3A_205 : i32 to index
        %swap3A_212 = tpu.vector_load %arg9[%swap3A_207, %swap3A_208, %swap3A_209, %swap3A_210, %swap3A_211] {strides = array<i32>} : memref<2x2x2x8x128xf32, #tpu.memory_space<vmem>>, vector<16xf32>,
        tpu.vector_store %arg9[%swap3A_207, %swap3A_208, %swap3A_209, %swap3A_210, %swap3A_211], %gather3A_203 {strides = array<i32>} : memref<2x2x2x8x128xf32, #tpu.memory_space<vmem>>, vector<16xf32>,
        %add3A_213 = arith.constant 1 : i32
        %add3A_214 = vector.broadcast %add3A_213 : i32 to vector<16xi32>
        %add3A_215 = arith.addi %get3A_170, %add3A_214 : vector<16xi32>
        %gather3A_216 = arith.constant 0 : i32
        %gather3A_217 = arith.constant 0 : i32
        %gather3A_218 = tpu.memref_slice %arg8[%rem3A_92, %gather3A_216, %gather3A_217] : memref<2x256x128xf32, #tpu.memory_space<vmem>> -> memref<1x256x128xf32, #tpu.memory_space<vmem>>
        %gather3A_219 = tpu.memref_squeeze %gather3A_218 : memref<1x256x128xf32, #tpu.memory_space<vmem>> -> memref<256x128xf32, #tpu.memory_space<vmem>>
        %gather3A_220 = tpu.vector_load_idx %gather3A_219[%add3A_168, %add3A_215] : memref<256x128xf32, #tpu.memory_space<vmem>>[vector<16xi32>, vector<16xi32>], vector<16xf32>,
        %mul3A_221 = arith.constant 16 : i32
        %mul3A_222 = arith.muli %rem3A_196, %mul3A_221 : i32
        %swap3A_223 = arith.constant 0 : i32
        %swap3A_224 = arith.constant 1 : i32
        %swap3A_225 = arith.index_cast %rem3A_92 : i32 to index
        %swap3A_226 = arith.index_cast %swap3A_223 : i32 to index
        %swap3A_227 = arith.index_cast %select_n3A_194 : i32 to index
        %swap3A_228 = arith.index_cast %swap3A_224 : i32 to index
        %swap3A_229 = arith.index_cast %mul3A_222 : i32 to index
        %swap3A_230 = tpu.vector_load %arg9[%swap3A_225, %swap3A_226, %swap3A_227, %swap3A_228, %swap3A_229] {strides = array<i32>} : memref<2x2x2x8x128xf32, #tpu.memory_space<vmem>>, vector<16xf32>,
        tpu.vector_store %arg9[%swap3A_225, %swap3A_226, %swap3A_227, %swap3A_228, %swap3A_229], %gather3A_220 {strides = array<i32>} : memref<2x2x2x8x128xf32, #tpu.memory_space<vmem>>, vector<16xf32>,
        %add3A_231 = arith.constant 2 : i32
        %add3A_232 = vector.broadcast %add3A_231 : i32 to vector<16xi32>
        %add3A_233 = arith.addi %get3A_170, %add3A_232 : vector<16xi32>
        %gather3A_234 = arith.constant 0 : i32
        %gather3A_235 = arith.constant 0 : i32
        %gather3A_236 = tpu.memref_slice %arg8[%rem3A_92, %gather3A_234, %gather3A_235] : memref<2x256x128xf32, #tpu.memory_space<vmem>> -> memref<1x256x128xf32, #tpu.memory_space<vmem>>
        %gather3A_237 = tpu.memref_squeeze %gather3A_236 : memref<1x256x128xf32, #tpu.memory_space<vmem>> -> memref<256x128xf32, #tpu.memory_space<vmem>>
        %gather3A_238 = tpu.vector_load_idx %gather3A_237[%add3A_168, %add3A_233] : memref<256x128xf32, #tpu.memory_space<vmem>>[vector<16xi32>, vector<16xi32>], vector<16xf32>,
        %mul3A_239 = arith.constant 16 : i32
        %mul3A_240 = arith.muli %rem3A_196, %mul3A_239 : i32
        %swap3A_241 = arith.constant 0 : i32
        %swap3A_242 = arith.constant 2 : i32
        %swap3A_243 = arith.index_cast %rem3A_92 : i32 to index
        %swap3A_244 = arith.index_cast %swap3A_241 : i32 to index
        %swap3A_245 = arith.index_cast %select_n3A_194 : i32 to index
        %swap3A_246 = arith.index_cast %swap3A_242 : i32 to index
        %swap3A_247 = arith.index_cast %mul3A_240 : i32 to index
        %swap3A_248 = tpu.vector_load %arg9[%swap3A_243, %swap3A_244, %swap3A_245, %swap3A_246, %swap3A_247] {strides = array<i32>} : memref<2x2x2x8x128xf32, #tpu.memory_space<vmem>>, vector<16xf32>,
        tpu.vector_store %arg9[%swap3A_243, %swap3A_244, %swap3A_245, %swap3A_246, %swap3A_247], %gather3A_238 {strides = array<i32>} : memref<2x2x2x8x128xf32, #tpu.memory_space<vmem>>, vector<16xf32>,
        %add3A_249 = arith.constant 3 : i32
        %add3A_250 = vector.broadcast %add3A_249 : i32 to vector<16xi32>
        %add3A_251 = arith.addi %get3A_170, %add3A_250 : vector<16xi32>
        %gather3A_252 = arith.constant 0 : i32
        %gather3A_253 = arith.constant 0 : i32
        %gather3A_254 = tpu.memref_slice %arg8[%rem3A_92, %gather3A_252, %gather3A_253] : memref<2x256x128xf32, #tpu.memory_space<vmem>> -> memref<1x256x128xf32, #tpu.memory_space<vmem>>
        %gather3A_255 = tpu.memref_squeeze %gather3A_254 : memref<1x256x128xf32, #tpu.memory_space<vmem>> -> memref<256x128xf32, #tpu.memory_space<vmem>>
        %gather3A_256 = tpu.vector_load_idx %gather3A_255[%add3A_168, %add3A_251] : memref<256x128xf32, #tpu.memory_space<vmem>>[vector<16xi32>, vector<16xi32>], vector<16xf32>,
        %mul3A_257 = arith.constant 16 : i32
        %mul3A_258 = arith.muli %rem3A_196, %mul3A_257 : i32
        %swap3A_259 = arith.constant 0 : i32
        %swap3A_260 = arith.constant 3 : i32
        %swap3A_261 = arith.index_cast %rem3A_92 : i32 to index
        %swap3A_262 = arith.index_cast %swap3A_259 : i32 to index
        %swap3A_263 = arith.index_cast %select_n3A_194 : i32 to index
        %swap3A_264 = arith.index_cast %swap3A_260 : i32 to index
        %swap3A_265 = arith.index_cast %mul3A_258 : i32 to index
        %swap3A_266 = tpu.vector_load %arg9[%swap3A_261, %swap3A_262, %swap3A_263, %swap3A_264, %swap3A_265] {strides = array<i32>} : memref<2x2x2x8x128xf32, #tpu.memory_space<vmem>>, vector<16xf32>,
        tpu.vector_store %arg9[%swap3A_261, %swap3A_262, %swap3A_263, %swap3A_264, %swap3A_265], %gather3A_256 {strides = array<i32>} : memref<2x2x2x8x128xf32, #tpu.memory_space<vmem>>, vector<16xf32>,
        %add3A_267 = arith.constant 4 : i32
        %add3A_268 = vector.broadcast %add3A_267 : i32 to vector<16xi32>
        %add3A_269 = arith.addi %get3A_170, %add3A_268 : vector<16xi32>
        %gather3A_270 = arith.constant 0 : i32
        %gather3A_271 = arith.constant 0 : i32
        %gather3A_272 = tpu.memref_slice %arg8[%rem3A_92, %gather3A_270, %gather3A_271] : memref<2x256x128xf32, #tpu.memory_space<vmem>> -> memref<1x256x128xf32, #tpu.memory_space<vmem>>
        %gather3A_273 = tpu.memref_squeeze %gather3A_272 : memref<1x256x128xf32, #tpu.memory_space<vmem>> -> memref<256x128xf32, #tpu.memory_space<vmem>>
        %gather3A_274 = tpu.vector_load_idx %gather3A_273[%add3A_168, %add3A_269] : memref<256x128xf32, #tpu.memory_space<vmem>>[vector<16xi32>, vector<16xi32>], vector<16xf32>,
        %mul3A_275 = arith.constant 16 : i32
        %mul3A_276 = arith.muli %rem3A_196, %mul3A_275 : i32
        %swap3A_277 = arith.constant 0 : i32
        %swap3A_278 = arith.constant 4 : i32
        %swap3A_279 = arith.index_cast %rem3A_92 : i32 to index
        %swap3A_280 = arith.index_cast %swap3A_277 : i32 to index
        %swap3A_281 = arith.index_cast %select_n3A_194 : i32 to index
        %swap3A_282 = arith.index_cast %swap3A_278 : i32 to index
        %swap3A_283 = arith.index_cast %mul3A_276 : i32 to index
        %swap3A_284 = tpu.vector_load %arg9[%swap3A_279, %swap3A_280, %swap3A_281, %swap3A_282, %swap3A_283] {strides = array<i32>} : memref<2x2x2x8x128xf32, #tpu.memory_space<vmem>>, vector<16xf32>,
        tpu.vector_store %arg9[%swap3A_279, %swap3A_280, %swap3A_281, %swap3A_282, %swap3A_283], %gather3A_274 {strides = array<i32>} : memref<2x2x2x8x128xf32, #tpu.memory_space<vmem>>, vector<16xf32>,
        %add3A_285 = arith.constant 5 : i32
        %add3A_286 = vector.broadcast %add3A_285 : i32 to vector<16xi32>
        %add3A_287 = arith.addi %get3A_170, %add3A_286 : vector<16xi32>
        %gather3A_288 = arith.constant 0 : i32
        %gather3A_289 = arith.constant 0 : i32
        %gather3A_290 = tpu.memref_slice %arg8[%rem3A_92, %gather3A_288, %gather3A_289] : memref<2x256x128xf32, #tpu.memory_space<vmem>> -> memref<1x256x128xf32, #tpu.memory_space<vmem>>
        %gather3A_291 = tpu.memref_squeeze %gather3A_290 : memref<1x256x128xf32, #tpu.memory_space<vmem>> -> memref<256x128xf32, #tpu.memory_space<vmem>>
        %gather3A_292 = tpu.vector_load_idx %gather3A_291[%add3A_168, %add3A_287] : memref<256x128xf32, #tpu.memory_space<vmem>>[vector<16xi32>, vector<16xi32>], vector<16xf32>,
        %mul3A_293 = arith.constant 16 : i32
        %mul3A_294 = arith.muli %rem3A_196, %mul3A_293 : i32
        %swap3A_295 = arith.constant 0 : i32
        %swap3A_296 = arith.constant 5 : i32
        %swap3A_297 = arith.index_cast %rem3A_92 : i32 to index
        %swap3A_298 = arith.index_cast %swap3A_295 : i32 to index
        %swap3A_299 = arith.index_cast %select_n3A_194 : i32 to index
        %swap3A_300 = arith.index_cast %swap3A_296 : i32 to index
        %swap3A_301 = arith.index_cast %mul3A_294 : i32 to index
        %swap3A_302 = tpu.vector_load %arg9[%swap3A_297, %swap3A_298, %swap3A_299, %swap3A_300, %swap3A_301] {strides = array<i32>} : memref<2x2x2x8x128xf32, #tpu.memory_space<vmem>>, vector<16xf32>,
        tpu.vector_store %arg9[%swap3A_297, %swap3A_298, %swap3A_299, %swap3A_300, %swap3A_301], %gather3A_292 {strides = array<i32>} : memref<2x2x2x8x128xf32, #tpu.memory_space<vmem>>, vector<16xf32>,
        %add3A_303 = arith.constant 6 : i32
        %add3A_304 = vector.broadcast %add3A_303 : i32 to vector<16xi32>
        %add3A_305 = arith.addi %get3A_170, %add3A_304 : vector<16xi32>
        %gather3A_306 = arith.constant 0 : i32
        %gather3A_307 = arith.constant 0 : i32
        %gather3A_308 = tpu.memref_slice %arg8[%rem3A_92, %gather3A_306, %gather3A_307] : memref<2x256x128xf32, #tpu.memory_space<vmem>> -> memref<1x256x128xf32, #tpu.memory_space<vmem>>
        %gather3A_309 = tpu.memref_squeeze %gather3A_308 : memref<1x256x128xf32, #tpu.memory_space<vmem>> -> memref<256x128xf32, #tpu.memory_space<vmem>>
        %gather3A_310 = tpu.vector_load_idx %gather3A_309[%add3A_168, %add3A_305] : memref<256x128xf32, #tpu.memory_space<vmem>>[vector<16xi32>, vector<16xi32>], vector<16xf32>,
        %mul3A_311 = arith.constant 16 : i32
        %mul3A_312 = arith.muli %rem3A_196, %mul3A_311 : i32
        %swap3A_313 = arith.constant 0 : i32
        %swap3A_314 = arith.constant 6 : i32
        %swap3A_315 = arith.index_cast %rem3A_92 : i32 to index
        %swap3A_316 = arith.index_cast %swap3A_313 : i32 to index
        %swap3A_317 = arith.index_cast %select_n3A_194 : i32 to index
        %swap3A_318 = arith.index_cast %swap3A_314 : i32 to index
        %swap3A_319 = arith.index_cast %mul3A_312 : i32 to index
        %swap3A_320 = tpu.vector_load %arg9[%swap3A_315, %swap3A_316, %swap3A_317, %swap3A_318, %swap3A_319] {strides = array<i32>} : memref<2x2x2x8x128xf32, #tpu.memory_space<vmem>>, vector<16xf32>,
        tpu.vector_store %arg9[%swap3A_315, %swap3A_316, %swap3A_317, %swap3A_318, %swap3A_319], %gather3A_310 {strides = array<i32>} : memref<2x2x2x8x128xf32, #tpu.memory_space<vmem>>, vector<16xf32>,
        %add3A_321 = arith.constant 7 : i32
        %add3A_322 = vector.broadcast %add3A_321 : i32 to vector<16xi32>
        %add3A_323 = arith.addi %get3A_170, %add3A_322 : vector<16xi32>
        %gather3A_324 = arith.constant 0 : i32
        %gather3A_325 = arith.constant 0 : i32
        %gather3A_326 = tpu.memref_slice %arg8[%rem3A_92, %gather3A_324, %gather3A_325] : memref<2x256x128xf32, #tpu.memory_space<vmem>> -> memref<1x256x128xf32, #tpu.memory_space<vmem>>
        %gather3A_327 = tpu.memref_squeeze %gather3A_326 : memref<1x256x128xf32, #tpu.memory_space<vmem>> -> memref<256x128xf32, #tpu.memory_space<vmem>>
        %gather3A_328 = tpu.vector_load_idx %gather3A_327[%add3A_168, %add3A_323] : memref<256x128xf32, #tpu.memory_space<vmem>>[vector<16xi32>, vector<16xi32>], vector<16xf32>,
        %mul3A_329 = arith.constant 16 : i32
        %mul3A_330 = arith.muli %rem3A_196, %mul3A_329 : i32
        %swap3A_331 = arith.constant 0 : i32
        %swap3A_332 = arith.constant 7 : i32
        %swap3A_333 = arith.index_cast %rem3A_92 : i32 to index
        %swap3A_334 = arith.index_cast %swap3A_331 : i32 to index
        %swap3A_335 = arith.index_cast %select_n3A_194 : i32 to index
        %swap3A_336 = arith.index_cast %swap3A_332 : i32 to index
        %swap3A_337 = arith.index_cast %mul3A_330 : i32 to index
        %swap3A_338 = tpu.vector_load %arg9[%swap3A_333, %swap3A_334, %swap3A_335, %swap3A_336, %swap3A_337] {strides = array<i32>} : memref<2x2x2x8x128xf32, #tpu.memory_space<vmem>>, vector<16xf32>,
        tpu.vector_store %arg9[%swap3A_333, %swap3A_334, %swap3A_335, %swap3A_336, %swap3A_337], %gather3A_328 {strides = array<i32>} : memref<2x2x2x8x128xf32, #tpu.memory_space<vmem>>, vector<16xf32>,
        %add3A_339 = arith.constant 8 : i32
        %add3A_340 = vector.broadcast %add3A_339 : i32 to vector<16xi32>
        %add3A_341 = arith.addi %get3A_170, %add3A_340 : vector<16xi32>
        %gather3A_342 = arith.constant 0 : i32
        %gather3A_343 = arith.constant 0 : i32
        %gather3A_344 = tpu.memref_slice %arg8[%rem3A_92, %gather3A_342, %gather3A_343] : memref<2x256x128xf32, #tpu.memory_space<vmem>> -> memref<1x256x128xf32, #tpu.memory_space<vmem>>
        %gather3A_345 = tpu.memref_squeeze %gather3A_344 : memref<1x256x128xf32, #tpu.memory_space<vmem>> -> memref<256x128xf32, #tpu.memory_space<vmem>>
        %gather3A_346 = tpu.vector_load_idx %gather3A_345[%add3A_168, %add3A_341] : memref<256x128xf32, #tpu.memory_space<vmem>>[vector<16xi32>, vector<16xi32>], vector<16xf32>,
        %mul3A_347 = arith.constant 16 : i32
        %mul3A_348 = arith.muli %rem3A_196, %mul3A_347 : i32
        %swap3A_349 = arith.constant 1 : i32
        %swap3A_350 = arith.constant 0 : i32
        %swap3A_351 = arith.index_cast %rem3A_92 : i32 to index
        %swap3A_352 = arith.index_cast %swap3A_349 : i32 to index
        %swap3A_353 = arith.index_cast %select_n3A_194 : i32 to index
        %swap3A_354 = arith.index_cast %swap3A_350 : i32 to index
        %swap3A_355 = arith.index_cast %mul3A_348 : i32 to index
        %swap3A_356 = tpu.vector_load %arg9[%swap3A_351, %swap3A_352, %swap3A_353, %swap3A_354, %swap3A_355] {strides = array<i32>} : memref<2x2x2x8x128xf32, #tpu.memory_space<vmem>>, vector<16xf32>,
        tpu.vector_store %arg9[%swap3A_351, %swap3A_352, %swap3A_353, %swap3A_354, %swap3A_355], %gather3A_346 {strides = array<i32>} : memref<2x2x2x8x128xf32, #tpu.memory_space<vmem>>, vector<16xf32>,
        %add3A_357 = arith.constant 9 : i32
        %add3A_358 = vector.broadcast %add3A_357 : i32 to vector<16xi32>
        %add3A_359 = arith.addi %get3A_170, %add3A_358 : vector<16xi32>
        %gather3A_360 = arith.constant 0 : i32
        %gather3A_361 = arith.constant 0 : i32
        %gather3A_362 = tpu.memref_slice %arg8[%rem3A_92, %gather3A_360, %gather3A_361] : memref<2x256x128xf32, #tpu.memory_space<vmem>> -> memref<1x256x128xf32, #tpu.memory_space<vmem>>
        %gather3A_363 = tpu.memref_squeeze %gather3A_362 : memref<1x256x128xf32, #tpu.memory_space<vmem>> -> memref<256x128xf32, #tpu.memory_space<vmem>>
        %gather3A_364 = tpu.vector_load_idx %gather3A_363[%add3A_168, %add3A_359] : memref<256x128xf32, #tpu.memory_space<vmem>>[vector<16xi32>, vector<16xi32>], vector<16xf32>,
        %mul3A_365 = arith.constant 16 : i32
        %mul3A_366 = arith.muli %rem3A_196, %mul3A_365 : i32
        %swap3A_367 = arith.constant 1 : i32
        %swap3A_368 = arith.constant 1 : i32
        %swap3A_369 = arith.index_cast %rem3A_92 : i32 to index
        %swap3A_370 = arith.index_cast %swap3A_367 : i32 to index
        %swap3A_371 = arith.index_cast %select_n3A_194 : i32 to index
        %swap3A_372 = arith.index_cast %swap3A_368 : i32 to index
        %swap3A_373 = arith.index_cast %mul3A_366 : i32 to index
        %swap3A_374 = tpu.vector_load %arg9[%swap3A_369, %swap3A_370, %swap3A_371, %swap3A_372, %swap3A_373] {strides = array<i32>} : memref<2x2x2x8x128xf32, #tpu.memory_space<vmem>>, vector<16xf32>,
        tpu.vector_store %arg9[%swap3A_369, %swap3A_370, %swap3A_371, %swap3A_372, %swap3A_373], %gather3A_364 {strides = array<i32>} : memref<2x2x2x8x128xf32, #tpu.memory_space<vmem>>, vector<16xf32>,
        %add3A_375 = arith.constant 10 : i32
        %add3A_376 = vector.broadcast %add3A_375 : i32 to vector<16xi32>
        %add3A_377 = arith.addi %get3A_170, %add3A_376 : vector<16xi32>
        %gather3A_378 = arith.constant 0 : i32
        %gather3A_379 = arith.constant 0 : i32
        %gather3A_380 = tpu.memref_slice %arg8[%rem3A_92, %gather3A_378, %gather3A_379] : memref<2x256x128xf32, #tpu.memory_space<vmem>> -> memref<1x256x128xf32, #tpu.memory_space<vmem>>
        %gather3A_381 = tpu.memref_squeeze %gather3A_380 : memref<1x256x128xf32, #tpu.memory_space<vmem>> -> memref<256x128xf32, #tpu.memory_space<vmem>>
        %gather3A_382 = tpu.vector_load_idx %gather3A_381[%add3A_168, %add3A_377] : memref<256x128xf32, #tpu.memory_space<vmem>>[vector<16xi32>, vector<16xi32>], vector<16xf32>,
        %mul3A_383 = arith.constant 16 : i32
        %mul3A_384 = arith.muli %rem3A_196, %mul3A_383 : i32
        %swap3A_385 = arith.constant 1 : i32
        %swap3A_386 = arith.constant 2 : i32
        %swap3A_387 = arith.index_cast %rem3A_92 : i32 to index
        %swap3A_388 = arith.index_cast %swap3A_385 : i32 to index
        %swap3A_389 = arith.index_cast %select_n3A_194 : i32 to index
        %swap3A_390 = arith.index_cast %swap3A_386 : i32 to index
        %swap3A_391 = arith.index_cast %mul3A_384 : i32 to index
        %swap3A_392 = tpu.vector_load %arg9[%swap3A_387, %swap3A_388, %swap3A_389, %swap3A_390, %swap3A_391] {strides = array<i32>} : memref<2x2x2x8x128xf32, #tpu.memory_space<vmem>>, vector<16xf32>,
        tpu.vector_store %arg9[%swap3A_387, %swap3A_388, %swap3A_389, %swap3A_390, %swap3A_391], %gather3A_382 {strides = array<i32>} : memref<2x2x2x8x128xf32, #tpu.memory_space<vmem>>, vector<16xf32>,
        %add3A_393 = arith.constant 11 : i32
        %add3A_394 = vector.broadcast %add3A_393 : i32 to vector<16xi32>
        %add3A_395 = arith.addi %get3A_170, %add3A_394 : vector<16xi32>
        %gather3A_396 = arith.constant 0 : i32
        %gather3A_397 = arith.constant 0 : i32
        %gather3A_398 = tpu.memref_slice %arg8[%rem3A_92, %gather3A_396, %gather3A_397] : memref<2x256x128xf32, #tpu.memory_space<vmem>> -> memref<1x256x128xf32, #tpu.memory_space<vmem>>
        %gather3A_399 = tpu.memref_squeeze %gather3A_398 : memref<1x256x128xf32, #tpu.memory_space<vmem>> -> memref<256x128xf32, #tpu.memory_space<vmem>>
        %gather3A_400 = tpu.vector_load_idx %gather3A_399[%add3A_168, %add3A_395] : memref<256x128xf32, #tpu.memory_space<vmem>>[vector<16xi32>, vector<16xi32>], vector<16xf32>,
        %mul3A_401 = arith.constant 16 : i32
        %mul3A_402 = arith.muli %rem3A_196, %mul3A_401 : i32
        %swap3A_403 = arith.constant 1 : i32
        %swap3A_404 = arith.constant 3 : i32
        %swap3A_405 = arith.index_cast %rem3A_92 : i32 to index
        %swap3A_406 = arith.index_cast %swap3A_403 : i32 to index
        %swap3A_407 = arith.index_cast %select_n3A_194 : i32 to index
        %swap3A_408 = arith.index_cast %swap3A_404 : i32 to index
        %swap3A_409 = arith.index_cast %mul3A_402 : i32 to index
        %swap3A_410 = tpu.vector_load %arg9[%swap3A_405, %swap3A_406, %swap3A_407, %swap3A_408, %swap3A_409] {strides = array<i32>} : memref<2x2x2x8x128xf32, #tpu.memory_space<vmem>>, vector<16xf32>,
        tpu.vector_store %arg9[%swap3A_405, %swap3A_406, %swap3A_407, %swap3A_408, %swap3A_409], %gather3A_400 {strides = array<i32>} : memref<2x2x2x8x128xf32, #tpu.memory_space<vmem>>, vector<16xf32>,
        %add3A_411 = arith.constant 12 : i32
        %add3A_412 = vector.broadcast %add3A_411 : i32 to vector<16xi32>
        %add3A_413 = arith.addi %get3A_170, %add3A_412 : vector<16xi32>
        %gather3A_414 = arith.constant 0 : i32
        %gather3A_415 = arith.constant 0 : i32
        %gather3A_416 = tpu.memref_slice %arg8[%rem3A_92, %gather3A_414, %gather3A_415] : memref<2x256x128xf32, #tpu.memory_space<vmem>> -> memref<1x256x128xf32, #tpu.memory_space<vmem>>
        %gather3A_417 = tpu.memref_squeeze %gather3A_416 : memref<1x256x128xf32, #tpu.memory_space<vmem>> -> memref<256x128xf32, #tpu.memory_space<vmem>>
        %gather3A_418 = tpu.vector_load_idx %gather3A_417[%add3A_168, %add3A_413] : memref<256x128xf32, #tpu.memory_space<vmem>>[vector<16xi32>, vector<16xi32>], vector<16xf32>,
        %mul3A_419 = arith.constant 16 : i32
        %mul3A_420 = arith.muli %rem3A_196, %mul3A_419 : i32
        %swap3A_421 = arith.constant 1 : i32
        %swap3A_422 = arith.constant 4 : i32
        %swap3A_423 = arith.index_cast %rem3A_92 : i32 to index
        %swap3A_424 = arith.index_cast %swap3A_421 : i32 to index
        %swap3A_425 = arith.index_cast %select_n3A_194 : i32 to index
        %swap3A_426 = arith.index_cast %swap3A_422 : i32 to index
        %swap3A_427 = arith.index_cast %mul3A_420 : i32 to index
        %swap3A_428 = tpu.vector_load %arg9[%swap3A_423, %swap3A_424, %swap3A_425, %swap3A_426, %swap3A_427] {strides = array<i32>} : memref<2x2x2x8x128xf32, #tpu.memory_space<vmem>>, vector<16xf32>,
        tpu.vector_store %arg9[%swap3A_423, %swap3A_424, %swap3A_425, %swap3A_426, %swap3A_427], %gather3A_418 {strides = array<i32>} : memref<2x2x2x8x128xf32, #tpu.memory_space<vmem>>, vector<16xf32>,
        %add3A_429 = arith.constant 13 : i32
        %add3A_430 = vector.broadcast %add3A_429 : i32 to vector<16xi32>
        %add3A_431 = arith.addi %get3A_170, %add3A_430 : vector<16xi32>
        %gather3A_432 = arith.constant 0 : i32
        %gather3A_433 = arith.constant 0 : i32
        %gather3A_434 = tpu.memref_slice %arg8[%rem3A_92, %gather3A_432, %gather3A_433] : memref<2x256x128xf32, #tpu.memory_space<vmem>> -> memref<1x256x128xf32, #tpu.memory_space<vmem>>
        %gather3A_435 = tpu.memref_squeeze %gather3A_434 : memref<1x256x128xf32, #tpu.memory_space<vmem>> -> memref<256x128xf32, #tpu.memory_space<vmem>>
        %gather3A_436 = tpu.vector_load_idx %gather3A_435[%add3A_168, %add3A_431] : memref<256x128xf32, #tpu.memory_space<vmem>>[vector<16xi32>, vector<16xi32>], vector<16xf32>,
        %mul3A_437 = arith.constant 16 : i32
        %mul3A_438 = arith.muli %rem3A_196, %mul3A_437 : i32
        %swap3A_439 = arith.constant 1 : i32
        %swap3A_440 = arith.constant 5 : i32
        %swap3A_441 = arith.index_cast %rem3A_92 : i32 to index
        %swap3A_442 = arith.index_cast %swap3A_439 : i32 to index
        %swap3A_443 = arith.index_cast %select_n3A_194 : i32 to index
        %swap3A_444 = arith.index_cast %swap3A_440 : i32 to index
        %swap3A_445 = arith.index_cast %mul3A_438 : i32 to index
        %swap3A_446 = tpu.vector_load %arg9[%swap3A_441, %swap3A_442, %swap3A_443, %swap3A_444, %swap3A_445] {strides = array<i32>} : memref<2x2x2x8x128xf32, #tpu.memory_space<vmem>>, vector<16xf32>,
        tpu.vector_store %arg9[%swap3A_441, %swap3A_442, %swap3A_443, %swap3A_444, %swap3A_445], %gather3A_436 {strides = array<i32>} : memref<2x2x2x8x128xf32, #tpu.memory_space<vmem>>, vector<16xf32>,
        %add3A_447 = arith.constant 14 : i32
        %add3A_448 = vector.broadcast %add3A_447 : i32 to vector<16xi32>
        %add3A_449 = arith.addi %get3A_170, %add3A_448 : vector<16xi32>
        %gather3A_450 = arith.constant 0 : i32
        %gather3A_451 = arith.constant 0 : i32
        %gather3A_452 = tpu.memref_slice %arg8[%rem3A_92, %gather3A_450, %gather3A_451] : memref<2x256x128xf32, #tpu.memory_space<vmem>> -> memref<1x256x128xf32, #tpu.memory_space<vmem>>
        %gather3A_453 = tpu.memref_squeeze %gather3A_452 : memref<1x256x128xf32, #tpu.memory_space<vmem>> -> memref<256x128xf32, #tpu.memory_space<vmem>>
        %gather3A_454 = tpu.vector_load_idx %gather3A_453[%add3A_168, %add3A_449] : memref<256x128xf32, #tpu.memory_space<vmem>>[vector<16xi32>, vector<16xi32>], vector<16xf32>,
        %mul3A_455 = arith.constant 16 : i32
        %mul3A_456 = arith.muli %rem3A_196, %mul3A_455 : i32
        %swap3A_457 = arith.constant 1 : i32
        %swap3A_458 = arith.constant 6 : i32
        %swap3A_459 = arith.index_cast %rem3A_92 : i32 to index
        %swap3A_460 = arith.index_cast %swap3A_457 : i32 to index
        %swap3A_461 = arith.index_cast %select_n3A_194 : i32 to index
        %swap3A_462 = arith.index_cast %swap3A_458 : i32 to index
        %swap3A_463 = arith.index_cast %mul3A_456 : i32 to index
        %swap3A_464 = tpu.vector_load %arg9[%swap3A_459, %swap3A_460, %swap3A_461, %swap3A_462, %swap3A_463] {strides = array<i32>} : memref<2x2x2x8x128xf32, #tpu.memory_space<vmem>>, vector<16xf32>,
        tpu.vector_store %arg9[%swap3A_459, %swap3A_460, %swap3A_461, %swap3A_462, %swap3A_463], %gather3A_454 {strides = array<i32>} : memref<2x2x2x8x128xf32, #tpu.memory_space<vmem>>, vector<16xf32>,
        %add3A_465 = arith.constant 15 : i32
        %add3A_466 = vector.broadcast %add3A_465 : i32 to vector<16xi32>
        %add3A_467 = arith.addi %get3A_170, %add3A_466 : vector<16xi32>
        %gather3A_468 = arith.constant 0 : i32
        %gather3A_469 = arith.constant 0 : i32
        %gather3A_470 = tpu.memref_slice %arg8[%rem3A_92, %gather3A_468, %gather3A_469] : memref<2x256x128xf32, #tpu.memory_space<vmem>> -> memref<1x256x128xf32, #tpu.memory_space<vmem>>
        %gather3A_471 = tpu.memref_squeeze %gather3A_470 : memref<1x256x128xf32, #tpu.memory_space<vmem>> -> memref<256x128xf32, #tpu.memory_space<vmem>>
        %gather3A_472 = tpu.vector_load_idx %gather3A_471[%add3A_168, %add3A_467] : memref<256x128xf32, #tpu.memory_space<vmem>>[vector<16xi32>, vector<16xi32>], vector<16xf32>,
        %mul3A_473 = arith.constant 16 : i32
        %mul3A_474 = arith.muli %rem3A_196, %mul3A_473 : i32
        %swap3A_475 = arith.constant 1 : i32
        %swap3A_476 = arith.constant 7 : i32
        %swap3A_477 = arith.index_cast %rem3A_92 : i32 to index
        %swap3A_478 = arith.index_cast %swap3A_475 : i32 to index
        %swap3A_479 = arith.index_cast %select_n3A_194 : i32 to index
        %swap3A_480 = arith.index_cast %swap3A_476 : i32 to index
        %swap3A_481 = arith.index_cast %mul3A_474 : i32 to index
        %swap3A_482 = tpu.vector_load %arg9[%swap3A_477, %swap3A_478, %swap3A_479, %swap3A_480, %swap3A_481] {strides = array<i32>} : memref<2x2x2x8x128xf32, #tpu.memory_space<vmem>>, vector<16xf32>,
        tpu.vector_store %arg9[%swap3A_477, %swap3A_478, %swap3A_479, %swap3A_480, %swap3A_481], %gather3A_472 {strides = array<i32>} : memref<2x2x2x8x128xf32, #tpu.memory_space<vmem>>, vector<16xf32>,
      }
      %scan3A_139 = arith.constant 16 : i32
      %mul3A_140 = arith.constant 2 : i32
      %mul3A_141 = arith.muli %rem3A_129, %mul3A_140 : i32
      %add3A_142 = arith.addi %mul3A_4, %mul3A_141 : i32
      %dma_start3A = arith.constant 0 : i32
      %dma_start3A_143 = arith.constant 0 : i32
      %dma_start3A_144 = arith.constant 0 : i32
      %dma_start3A_145 = arith.constant 0 : i32
      %dma_start3A_146 = tpu.memref_slice %arg9[%rem3A_92, %dma_start3A, %dma_start3A_143, %dma_start3A_144, %dma_start3A_145] : memref<2x2x2x8x128xf32, #tpu.memory_space<vmem>> -> memref<1x2x2x8x128xf32, #tpu.memory_space<vmem>>
      %dma_start3A_147 = tpu.memref_squeeze %dma_start3A_146 : memref<1x2x2x8x128xf32, #tpu.memory_space<vmem>> -> memref<2x2x8x128xf32, #tpu.memory_space<vmem>>
      %dma_start3A_148 = arith.constant 0 : i32
      %dma_start3A_149 = arith.constant 0 : i32
      %dma_start3A_150 = arith.constant 0 : i32
      %dma_start3A_151 = tpu.memref_slice %arg4[%select_n3A, %dma_start3A_148, %add3A_142, %dma_start3A_149, %dma_start3A_150] : memref<26x2x128x8x128xf32, #tpu.memory_space<hbm>> -> memref<1x2x2x8x128xf32, #tpu.memory_space<hbm>>
      %dma_start3A_152 = tpu.memref_squeeze %dma_start3A_151 : memref<1x2x2x8x128xf32, #tpu.memory_space<hbm>> -> memref<2x2x8x128xf32, #tpu.memory_space<hbm>>
      %dma_start3A_153 = arith.constant 0 : i32
      %dma_start3A_154 = arith.constant 0 : i32
      %dma_start3A_155 = arith.constant 0 : i32
      %dma_start3A_156 = tpu.memref_slice %arg4[%select_n3A, %dma_start3A_153, %add3A_142, %dma_start3A_154, %dma_start3A_155] : memref<26x2x128x8x128xf32, #tpu.memory_space<hbm>> -> memref<1x2x2x8x128xf32, #tpu.memory_space<hbm>>
      %dma_start3A_157 = tpu.memref_squeeze %dma_start3A_156 : memref<1x2x2x8x128xf32, #tpu.memory_space<hbm>> -> memref<2x2x8x128xf32, #tpu.memory_space<hbm>>
      %dma_start3A_158 = arith.constant 0 : i32
      %dma_start3A_159 = arith.constant 0 : i32
      %dma_start3A_160 = arith.constant 0 : i32
      %dma_start3A_161 = arith.constant 0 : i32
      %dma_start3A_162 = tpu.memref_slice %arg9[%rem3A_92, %dma_start3A_158, %dma_start3A_159, %dma_start3A_160, %dma_start3A_161] : memref<2x2x2x8x128xf32, #tpu.memory_space<vmem>> -> memref<1x2x2x8x128xf32, #tpu.memory_space<vmem>>
      %dma_start3A_163 = tpu.memref_squeeze %dma_start3A_162 : memref<1x2x2x8x128xf32, #tpu.memory_space<vmem>> -> memref<2x2x8x128xf32, #tpu.memory_space<vmem>>
      tpu.enqueue_dma source(%dma_start3A_163 : memref<2x2x8x128xf32, #tpu.memory_space<vmem>>) target(%dma_start3A_157 : memref<2x2x8x128xf32, #tpu.memory_space<hbm>>) target_semaphore(%arg12 : memref<!tpu.dma_semaphore, #tpu.memory_space<semaphore_mem>>)
    }
    %scan3A_36 = arith.constant 52 : i32
    %dma_wait3A = arith.constant 0 : i32
    %dma_wait3A_37 = arith.constant 0 : i32
    %dma_wait3A_38 = arith.constant 0 : i32
    %dma_wait3A_39 = arith.constant 0 : i32
    %dma_wait3A_40 = arith.constant 0 : i32
    %dma_wait3A_41 = arith.constant 0 : i32
    %dma_wait3A_42 = tpu.memref_slice %arg9[%dma_wait3A, %dma_wait3A_38, %dma_wait3A_39, %dma_wait3A_40, %dma_wait3A_41] : memref<2x2x2x8x128xf32, #tpu.memory_space<vmem>> -> memref<1x2x2x8x128xf32, #tpu.memory_space<vmem>>
    %dma_wait3A_43 = tpu.memref_squeeze %dma_wait3A_42 : memref<1x2x2x8x128xf32, #tpu.memory_space<vmem>> -> memref<2x2x8x128xf32, #tpu.memory_space<vmem>>
    %dma_wait3A_44 = arith.constant 0 : i32
    %dma_wait3A_45 = arith.constant 0 : i32
    %dma_wait3A_46 = arith.constant 0 : i32
    %dma_wait3A_47 = arith.constant 0 : i32
    %dma_wait3A_48 = tpu.memref_slice %arg4[%dma_wait3A_37, %dma_wait3A_44, %dma_wait3A_45, %dma_wait3A_46, %dma_wait3A_47] : memref<26x2x128x8x128xf32, #tpu.memory_space<hbm>> -> memref<1x2x2x8x128xf32, #tpu.memory_space<hbm>>
    %dma_wait3A_49 = tpu.memref_squeeze %dma_wait3A_48 : memref<1x2x2x8x128xf32, #tpu.memory_space<hbm>> -> memref<2x2x8x128xf32, #tpu.memory_space<hbm>>
    %dma_wait3A_50 = arith.constant 0 : i32
    %dma_wait3A_51 = arith.constant 0 : i32
    %dma_wait3A_52 = arith.constant 0 : i32
    %dma_wait3A_53 = arith.constant 0 : i32
    %dma_wait3A_54 = tpu.memref_slice %arg4[%dma_wait3A_37, %dma_wait3A_50, %dma_wait3A_51, %dma_wait3A_52, %dma_wait3A_53] : memref<26x2x128x8x128xf32, #tpu.memory_space<hbm>> -> memref<1x2x2x8x128xf32, #tpu.memory_space<hbm>>
    %dma_wait3A_55 = tpu.memref_squeeze %dma_wait3A_54 : memref<1x2x2x8x128xf32, #tpu.memory_space<hbm>> -> memref<2x2x8x128xf32, #tpu.memory_space<hbm>>
    %dma_wait3A_56 = arith.constant 0 : i32
    %dma_wait3A_57 = arith.constant 0 : i32
    %dma_wait3A_58 = arith.constant 0 : i32
    %dma_wait3A_59 = arith.constant 0 : i32
    %dma_wait3A_60 = tpu.memref_slice %arg9[%dma_wait3A, %dma_wait3A_56, %dma_wait3A_57, %dma_wait3A_58, %dma_wait3A_59] : memref<2x2x2x8x128xf32, #tpu.memory_space<vmem>> -> memref<1x2x2x8x128xf32, #tpu.memory_space<vmem>>
    %dma_wait3A_61 = tpu.memref_squeeze %dma_wait3A_60 : memref<1x2x2x8x128xf32, #tpu.memory_space<vmem>> -> memref<2x2x8x128xf32, #tpu.memory_space<vmem>>
    tpu.wait_dma2 semaphore(%arg12 : memref<!tpu.dma_semaphore, #tpu.memory_space<semaphore_mem>>) src(%dma_wait3A_61 : memref<2x2x8x128xf32, #tpu.memory_space<vmem>>) dst(%dma_wait3A_55 : memref<2x2x8x128xf32, #tpu.memory_space<hbm>>)
    %dma_wait3A_62 = arith.constant 1 : i32
    %dma_wait3A_63 = arith.constant 0 : i32
    %dma_wait3A_64 = arith.constant 0 : i32
    %dma_wait3A_65 = arith.constant 0 : i32
    %dma_wait3A_66 = arith.constant 0 : i32
    %dma_wait3A_67 = arith.constant 0 : i32
    %dma_wait3A_68 = tpu.memref_slice %arg9[%dma_wait3A_62, %dma_wait3A_64, %dma_wait3A_65, %dma_wait3A_66, %dma_wait3A_67] : memref<2x2x2x8x128xf32, #tpu.memory_space<vmem>> -> memref<1x2x2x8x128xf32, #tpu.memory_space<vmem>>
    %dma_wait3A_69 = tpu.memref_squeeze %dma_wait3A_68 : memref<1x2x2x8x128xf32, #tpu.memory_space<vmem>> -> memref<2x2x8x128xf32, #tpu.memory_space<vmem>>
    %dma_wait3A_70 = arith.constant 0 : i32
    %dma_wait3A_71 = arith.constant 0 : i32
    %dma_wait3A_72 = arith.constant 0 : i32
    %dma_wait3A_73 = arith.constant 0 : i32
    %dma_wait3A_74 = tpu.memref_slice %arg4[%dma_wait3A_63, %dma_wait3A_70, %dma_wait3A_71, %dma_wait3A_72, %dma_wait3A_73] : memref<26x2x128x8x128xf32, #tpu.memory_space<hbm>> -> memref<1x2x2x8x128xf32, #tpu.memory_space<hbm>>
    %dma_wait3A_75 = tpu.memref_squeeze %dma_wait3A_74 : memref<1x2x2x8x128xf32, #tpu.memory_space<hbm>> -> memref<2x2x8x128xf32, #tpu.memory_space<hbm>>
    %dma_wait3A_76 = arith.constant 0 : i32
    %dma_wait3A_77 = arith.constant 0 : i32
    %dma_wait3A_78 = arith.constant 0 : i32
    %dma_wait3A_79 = arith.constant 0 : i32
    %dma_wait3A_80 = tpu.memref_slice %arg4[%dma_wait3A_63, %dma_wait3A_76, %dma_wait3A_77, %dma_wait3A_78, %dma_wait3A_79] : memref<26x2x128x8x128xf32, #tpu.memory_space<hbm>> -> memref<1x2x2x8x128xf32, #tpu.memory_space<hbm>>
    %dma_wait3A_81 = tpu.memref_squeeze %dma_wait3A_80 : memref<1x2x2x8x128xf32, #tpu.memory_space<hbm>> -> memref<2x2x8x128xf32, #tpu.memory_space<hbm>>
    %dma_wait3A_82 = arith.constant 0 : i32
    %dma_wait3A_83 = arith.constant 0 : i32
    %dma_wait3A_84 = arith.constant 0 : i32
    %dma_wait3A_85 = arith.constant 0 : i32
    %dma_wait3A_86 = tpu.memref_slice %arg9[%dma_wait3A_62, %dma_wait3A_82, %dma_wait3A_83, %dma_wait3A_84, %dma_wait3A_85] : memref<2x2x2x8x128xf32, #tpu.memory_space<vmem>> -> memref<1x2x2x8x128xf32, #tpu.memory_space<vmem>>
    %dma_wait3A_87 = tpu.memref_squeeze %dma_wait3A_86 : memref<1x2x2x8x128xf32, #tpu.memory_space<vmem>> -> memref<2x2x8x128xf32, #tpu.memory_space<vmem>>
    tpu.wait_dma2 semaphore(%arg12 : memref<!tpu.dma_semaphore, #tpu.memory_space<semaphore_mem>>) src(%dma_wait3A_87 : memref<2x2x8x128xf32, #tpu.memory_space<vmem>>) dst(%dma_wait3A_81 : memref<2x2x8x128xf32, #tpu.memory_space<hbm>>)
    return
  }
}

</mosaic_0001>

<sc_bundles>
// kernel: kernel.3.cloned.1.call-start
scs
__scs_entry_jumppad:
0x0: {  	(pc) =	sbr.rel $0x88, $3  }
0x1: {  	(tag) =	ssettag $0x0;
	lr =	simm.s32 $0x1  }
0x2: {  	[smem:$0x3F9F] =	sst lr;
	_ =	strace $0xD0000000  }
0x3: {  	_ = 	snop  }
0x4: {  	_ = 	snop  }
0x5: {  	_ = 	snop  }
0x6: {  	_ = 	snop  }
0x7: {  	_ = 	snop  }
__scs_overlays_trampoline_lowered:
0x8: {  	[smem:$0x3FAE] =	sst s0  }
0x9: {  	[smem:$0x3FAF] =	sst s1  }
0xa: {  	[smem:$0x3FB0] =	sst s2  }
0xb: {  	[smem:$0x3FB1] =	sst s3  }
0xc: {  	[smem:$0x3FB2] =	sst s4  }
0xd: {  	[smem:$0x3FB3] =	sst s5  }
0xe: {  	[smem:$0x3FB4] =	sst s6  }
0xf: {  	[smem:$0x3FB5] =	sst s7  }
0x10: {  	[smem:$0x3FB6] =	sst s8  }
0x11: {  	[smem:$0x3FB7] =	sst s9;
	s0 =	simm.s32 @!p0 $0x0  }
0x12: {  	s1 =	sld [smem:$0x3F9D];
	s0 =	simm.s32 @p0 $0x1  }
0x13: {  	[smem:$0x3FB8] =	sst s0;
	s0 =	simm.s32 @!p1 $0x0  }
0x14: {  	s2 =	sld [smem:$0x3F9C];
	s0 =	simm.s32 @p1 $0x1  }
0x15: {  	[smem:$0x3FB9] =	sst s0;
	s0 =	simm.s32 @!p2 $0x0  }
0x16: {  	s3 =	sld [smem:$0x3FDB];
	s0 =	simm.s32 @p2 $0x1  }
0x17: {  	s4 =	simm.s32 $0x1BF5;
	[smem:$0x3FBB] =	sst s0  }
0x18: {  	s0 =	sld [smem:$0x3F9E];
	_ =	swait.ge [sflag:s4], $0x0  }
0x19: {  	s7 =	sld [smem:$0x3F9F]  }
0x1a: {  	s8 =	sadd.s32 $0xFFFFE003, lr  }
0x1b: {  	s9 =	sadd.s32 $0xFFFFFEF7, lr;
	s5 =	simm.s32 $0xFFFFFFFF;
	p2 =	slt.u32 s8, $0xFFFFF086  }
0x1c: {  	p1 =	slt.u32 s9, $0xF7A;
	s5 =	simm.s32 @!p2 $0x0  }
0x1d: {  	s5 =	simm.s32 @p1 $0x1;
	p0 =	seq.s32 s7, s2  }
0x1e: {  	s7 =	smul.u32 @!p0 $0xF7A, s2;
	p2 =	seq.s32 @!p0 s5, $0x0  }
0x1f: {  	s9 =	smul.u32 $0xF7A, s1;
	s8 =	simm.s32 @!p0 $0x1BF5;
	p2 =	por !p2, p0  }
0x20: {  	[sflag:s8] =	ssyncset.s32 @!p0 $0xFFFFF086;
	s6 =	sadd.s32 @!p0 s3, s7;
	s7 =	simm.s32 @!p0 $0x108  }
0x21: {  	s3 =	sadd.s32 s3, s9;
	s6 =	sadd.s32 @!p0 $0x88, s6;
	s7 =	simm.s32 @p2 $0x1082  }
0x22: {  	[simem:s7], [sflag:s8] =	dma.local @!p0 [hbm:s6], $0xF7A  }
0x23: {  	s9 =	sor.u32 $0xD0000000, s2;
	s6 =	simm.s32 $0x108;
	_ =	swait.ge @!p0 [sflag:s8], $0x0  }
0x24: {  	s3 =	sadd.s32 $0x88, s3;
	s6 =	simm.s32 @!p1 $0x1082;
	[sflag:s4] =	ssyncset.s32 $0xFFFFF086  }
0x25: {  	[simem:s6], [sflag:s4] =	dma.local [hbm:s3], $0xF7A  }
0x26: {  	[smem:$0x3F9F] =	sst s1;
	(tag) =	ssettag s2;
	_ =	strace s9  }
0x27: {  	s1 =	sld [smem:$0x3FAF]  }
0x28: {  	s2 =	sld [smem:$0x3FB0]  }
0x29: {  	s4 =	sld [smem:$0x3FB2]  }
0x2a: {  	p0 =	seq.s32 s5, $0x0;
	s5 =	sld [smem:$0x3FB3]  }
0x2b: {  	s6 =	sld [smem:$0x3FB4]  }
0x2c: {  	s7 =	sld [smem:$0x3FB5]  }
0x2d: {  	s3 =	simm.s32 $0x108;
	s8 =	sld [smem:$0x3FB6]  }
0x2e: {  	s3 =	simm.s32 @!p0 $0x1082;
	s9 =	sld [smem:$0x3FB7]  }
0x2f: {  	lr =	sadd.s32 s0, s3;
	s0 =	sld [smem:$0x3FAE]  }
0x30: {  	s3 =	sld [smem:$0x3FB1]  }
0x31: {  	[smem:$0x3FBA] =	sst s10  }
0x32: {  	s10 =	sld [smem:$0x3FB8];
	_ =	sdelay $0x3  }
0x33: {  	p0 =	seq.s32 s10, $0x1;
	s10 =	sld [smem:$0x3FBA];
	_ =	sdelay $0x3  }
0x34: {  	[smem:$0x3FBA] =	sst s10  }
0x35: {  	s10 =	sld [smem:$0x3FB9];
	_ =	sdelay $0x3  }
0x36: {  	p1 =	seq.s32 s10, $0x1;
	s10 =	sld [smem:$0x3FBA];
	_ =	sdelay $0x3  }
0x37: {  	[smem:$0x3FBA] =	sst s10  }
0x38: {  	s10 =	sld [smem:$0x3FBB]  }
0x39: {  	_ = 	snop;
	(pc) =	sbr.ind lr, $3  }
0x3a: {  	_ = 	snop  }
0x3b: {  	_ = 	snop  }
0x3c: {  	p2 =	seq.s32 s10, $0x1;
	s10 =	sld [smem:$0x3FBA]  }
0x3d: {  	_ =	shalt  }
0x3e: {  	_ =	shalt  }
0x3f: {  	_ =	shalt  }
0x40: {  	_ =	shalt  }
0x41: {  	_ =	shalt  }
0x42: {  	_ =	shalt  }
0x43: {  	_ =	shalt  }
0x44: {  	_ =	shalt  }
0x45: {  	_ =	shalt  }
0x46: {  	_ =	shalt  }
0x47: {  	_ =	shalt  }
0x48: {  	_ =	shalt  }
0x49: {  	_ =	shalt  }
0x4a: {  	_ =	shalt  }
0x4b: {  	_ =	shalt  }
0x4c: {  	_ =	shalt  }
0x4d: {  	_ =	shalt  }
0x4e: {  	_ =	shalt  }
0x4f: {  	_ =	shalt  }
0x50: {  	_ =	shalt  }
0x51: {  	_ =	shalt  }
0x52: {  	_ =	shalt  }
0x53: {  	_ =	shalt  }
0x54: {  	_ =	shalt  }
0x55: {  	_ =	shalt  }
0x56: {  	_ =	shalt  }
0x57: {  	_ =	shalt  }
0x58: {  	_ =	shalt  }
0x59: {  	_ =	shalt  }
0x5a: {  	_ =	shalt  }
0x5b: {  	_ =	shalt  }
0x5c: {  	_ =	shalt  }
0x5d: {  	_ =	shalt  }
0x5e: {  	_ =	shalt  }
0x5f: {  	_ =	shalt  }
0x60: {  	_ =	shalt  }
0x61: {  	_ =	shalt  }
0x62: {  	_ =	shalt  }
0x63: {  	_ =	shalt  }
0x64: {  	_ =	shalt  }
0x65: {  	_ =	shalt  }
0x66: {  	_ =	shalt  }
0x67: {  	_ =	shalt  }
0x68: {  	_ =	shalt  }
0x69: {  	_ =	shalt  }
0x6a: {  	_ =	shalt  }
0x6b: {  	_ =	shalt  }
0x6c: {  	_ =	shalt  }
0x6d: {  	_ =	shalt  }
0x6e: {  	_ =	shalt  }
0x6f: {  	_ =	shalt  }
0x70: {  	_ =	shalt  }
0x71: {  	_ =	shalt  }
0x72: {  	_ =	shalt  }
0x73: {  	_ =	shalt  }
0x74: {  	_ =	shalt  }
0x75: {  	_ =	shalt  }
0x76: {  	_ =	shalt  }
0x77: {  	_ =	shalt  }
0x78: {  	_ =	shalt  }
0x79: {  	_ =	shalt  }
0x7a: {  	_ =	shalt  }
0x7b: {  	_ =	shalt  }
0x7c: {  	_ =	shalt  }
0x7d: {  	_ =	shalt  }
0x7e: {  	_ =	shalt  }
0x7f: {  	_ =	shalt  }
0x80: {  	_ =	shalt  }
0x81: {  	_ =	shalt  }
0x82: {  	_ =	shalt  }
0x83: {  	_ =	shalt  }
0x84: {  	_ =	shalt  }
0x85: {  	_ =	shalt  }
0x86: {  	_ =	shalt  }
0x87: {  	_ =	shalt  }
.Lfunc_end0:
.L_simem_size_0:
called_computation_lowered:
.L_overlay_start_0:
0x88: {  	s2 =	sld [smem:$0x3FD9]  }
0x89: {  	s3 =	sld [smem:$0x3FFE];
	_ =	sdelay $0x1  }
0x8a: {  	s1 =	srdreg.scid  }
0x8b: {  	s0 =	sand.u32 $0x1, s1  }
0x8c: {  	s17 =	sshll.u32 s0, $0xA;
	s2 =	sadd.s32 s3, s2  }
0x8d: {  	s2 =	sadd.s32 s2, s17  }
0x8e: {  	[smem:$0x3FC6] =	sst s2  }
0x8f: {  	_ = 	snop  }
0x90: {  	s2 =	sld [smem:$0x3FD0];
	(tm) =	ssettm $0x1  }
0x91: {  	s18 =	sld [smem:$0x3FFB];
	_ =	sdelay $0x3  }
0x92: {  	_ =	strace s18  }
0x93: {  	s3 =	sld [smem:$0x3FFC];
	_ =	sdelay $0x3  }
0x94: {  	_ =	strace s3  }
0x95: {  	s3 =	sld [smem:$0x3FFD];
	_ =	sdelay $0x3  }
0x96: {  	_ =	strace s3  }
0x97: {  	_ =	strace $0x8FFFFFFF  }
0x98: {  	s19 =	sld [smem:$0x3FDB];
	_ =	sdelay $0x1  }
0x99: {  	s4 =	simm.s32 $_scs_section_size  }
0x9a: {  	s5 =	simm.s32 $_size__tile_overlayer_lowered;
	s6 =	simm.s32 $_tile_overlayer_lowered  }
0x9b: {  	s22 =	simm.s32 $0x1BFF;
	s21 =	sshll.u32 s6, $0x1;
	s3 =	sadd.s32 s4, s19  }
0x9c: {  	s7 =	simm.s32 $0x0;
	s20 =	sshll.u32 s5, $0x1;
	s5 =	sadd.s32 s21, s3  }
0x9d: {  	[timem:s7], [sflag:s22] =	dma.local [hbm:s5], s20  }
0x9e: {  	_ =	swait.ge [sflag:s22], s20  }
0x9f: {  	s4 =	ssub.s32 $0x0, s20;
	[sflag:s22] =	ssyncset.done $0x0  }
0xa0: {  	[sflag:s22] =	ssyncadd.s32 s4;
	_ =	sdelay $0x1  }
0xa1: {  	s23 =	simm.s32 $0x1B8B  }
0xa2: {  	_ =	swait.ge [sflag:s23], $0x1  }
0xa3: {  	[sflag:s23] =	ssyncset.done $0x0  }
0xa4: {  	s25 =	simm.s32 $0x1B8E;
	s24 =	sld [smem:$0x3FFE];
	[sflag:s23] =	ssyncadd.s32 $0xFFFFFFFF  }
0xa5: {  	s26 =	simm.s32 $execute0_lowered;
	[smem:$0x3FD2] =	sst s25  }
0xa6: {  	s5 =	sshll.u32 s26, $0x1;
	_ =	strace $0x80000046;
	[dreg:$0x1] =	wrdreg $0xFFFFFFFF  }
0xa7: {  	s28 =	simm.s32 $_size_execute0_lowered;
	s3 =	sadd.s32 s3, s5;
	[dreg:$0x0] =	wrdreg $0x0  }
0xa8: {  	s5 =	sshll.u32 s28, $0x1;
	[dreg:$0x2] =	wrdreg s3  }
0xa9: {  	[dreg:$0x3] =	wrdreg s5  }
0xaa: {  	[dreg:$0x4] =	wrdreg $0xC0  }
0xab: {  	_ =	task [dreg:s7], $0x5FFFF  }
0xac: {  	[dreg:$0x1] =	wrdreg $0xFFFFFFFF  }
0xad: {  	[dreg:$0x0] =	wrdreg $0x60  }
0xae: {  	[dreg:$0x2] =	wrdreg s24  }
0xaf: {  	[dreg:$0x3] =	wrdreg s2  }
0xb0: {  	[dreg:$0x4] =	wrdreg $0x9  }
0xb1: {  	_ =	task.clear_ibuf [dreg:s7], $0x5FFFF;
	_ =	strace $0x90000046  }
0xb2: {  	s29 =	simm.s32 $0x9;
	_ =	strace $0x80000048  }
0xb3: {  	_ =	swait.ge [sflag:s29], $0x1  }
0xb4: {  	[sflag:s29] =	ssyncadd.s32 $0xFFFFFFFF  }
0xb5: {  	_ =	strace $0x90000048  }
0xb6: {  	_ =	sfence  }
0xb7: {  	s30 =	sld [smem:$0x0];
	_ =	sdelay $0x2  }
0xb8: {  	s31 =	sshll.u32 s1, $0xD;
	s1 =	sshrl.u32 s1, $0x2  }
0xb9: {  	s3 =	sand.u32 $0x4000, s31;
	s1 =	sadd.s32 s1, s30  }
0xba: {  	s0 =	sor.u32 s3, s0;
	s1 =	sshll.u32 s1, $0x11  }
0xbb: {  	s0 =	sor.u32 s1, s0  }
0xbc: {  	s0 =	sadd.s32 $0x8F2B, s0  }
0xbd: {  	[sflag:s0] =	ssyncadd.remote.s32 $0x1  }
0xbe: {  	_ =	sfence.sel $0xFFFF  }
0xbf: {  	[dreg:$0x0] =	wrdreg $0xFFFFFFFF;
	(pc) =	sbr.abs _section_cstart, $3  }
0xc0: {  	[dreg:$0x1] =	wrdreg $0xFFFFFFFF  }
0xc1: {  	_ =	task.clear_ibuf [dreg:s7], $0x2FFFF;
	_ =	strace $0x9FFFFFFF  }
0xc2: {  	(tm) =	ssettm $0x7FFFFFFF  }
0xc3: {  	_ =	shalt  }
tec
execute0_lowered:
.L_overlay_start_1:
0x0: {  	(tag) =	ssettag $0x1  }
0x1: {  	s4 =	rddreg [dreg:$0x0]  }
0x2: {  	s5 =	rddreg [dreg:$0x1]  }
0x3: {  	s0 =	rddreg [dreg:$0x2];
	s3 =	srdreg.scid  }
0x4: {  	s1 =	stileid.u32;
	s2 =	simm.s32 $0x0;
	s9 =	simm.s32 $0x4  }
0x5: {  	s10 =	simm.s32 $0x100;
	s11 =	simm.s32 $0x3400;
	s12 =	simm.s32 $0x3800  }
0x6: {  	s13 =	simm.s32 $0x800;
	s14 =	simm.s32 $0x20000;
	s15 =	simm.s32 $0x3  }
0x7: {  	s3 =	sand.u32 $0x1, s3;
	s6 =	sshll.u32 s1, $0x1;
	[smem:$0x7FF] =	sst s2  }
0x8: {  	s16 =	simm.s32 $0x0;
	s6 =	sor.u32 s3, s6;
	_ =	strace $0x80000047  }
0x9: {  	s8 =	ssub.s32 $0x2, s3;
	s3 =	sadd.s32 $0x27ACA00, s4;
	s7 =	sshll.u32 s6, $0x6  }
0xa: {  	s31 =	sshrl.u32 s8, $0x1;
	s6 =	sshll.u32 s6, $0x9;
	s4 =	sadd.s32 s7, s4  }
0xb: {  	v0 =	vlaneseq.u32;
	s7 =	ssub.s32 s8, s31;
	s5 =	sadd.s32 s5, s6;
	s8 =	simm.s32 $0x4000  }
0xc: {  	v0 =	vmul.u32 $0x80, v0;
	s4 =	sadd.s32 $0x600, s4;
	s6 =	smax.u32 s7, $0x1;
	s7 =	simm.s32 $0x200  }
.LBB2_1:
0xd: {  	[tilespmem:s2], [sflag:$0x4] =	stream.strided.gather [hbm4b:s4+s7], $0x3400, s8, s7, $0x38;
	[tilespmem:$0x15800] =	vst v63  }
0xe: {  	_ =	swait.ge [sflag:s9], $0x3400  }
0xf: {  	[sflag:s9] =	ssyncset.done $0x0  }
0x10: {  	s17 =	simm.s32 $0x0;
	[sflag:s9] =	ssyncadd.s32 $0xFFFFCC00  }
0x11: {  	v1 =	vld [tilespmem:s17+$0x0]  }
0x12: {  	s18 =	simm.s32 $0x40  }
.LBB2_2:
0x13: {  	p0 =	sne.s32 s18, $0x3C0  }
.Ltmp0:
0x14: {  	_ = 	snop;
	(pc) =	sbr.rel @p0 .LBB2_2-.Ltmp0, $4  }
0x15: {  	_ = 	snop  }
0x16: {  	s19 =	sshra.s32 s18, $0x2;
	s18 =	sadd.s32 $0x40, s18;
	v2 =	vshrl.u32 v1, $0x3;
	v3 =	vshll.u32 v1, $0x4  }
0x17: {  	v1 =	vld [tilespmem:s19+$0x0];
	[tilespmem:s17+$0x3400] =	vst v2;
	v2 =	vand.u32 $0x70, v3  }
0x18: {  	[tilespmem:s17+$0x3600] =	vst v2;
	s17 =	smov.u32 s19  }
0x19: {  	_ =	sdelay $0x2  }
0x1a: {  	v2 =	vshrl.u32 v1, $0x3;
	v1 =	vshll.u32 v1, $0x4  }
0x1b: {  	s19 =	simm.s32 $0x0;
	[tilespmem:s17+$0x3400] =	vst v2;
	v1 =	vand.u32 $0x70, v1  }
0x1c: {  	p0 =	por $0x1, $0x1;
	p1 =	por $0x0, $0x0;
	[tilespmem:s17+$0x3600] =	vst v1;
	s17 =	simm.s32 $0x1  }
0x1d: {  	[tilespmem:s12], [sflag:$0x1] =	stream.indirect.gather [hbm4b:s3+s10], $0x80, s11, s10, $0xb8;
	[tilespmem:$0x15800] =	vst v63  }
.LBB2_4:
0x1e: {  	p2 =	seq.s32 s19, $0x33  }
.Ltmp1:
0x1f: {  	_ = 	snop;
	(pc) =	sbr.rel @p2 .LBB2_8-.Ltmp1, $2  }
0x20: {  	_ =	sdelay $0x2  }
0x21: {  	s18 =	sadd.s32 $0x1, s19;
	s20 =	sand.u32 $0x1, s19  }
0x22: {  	s21 =	simm.s32 $0x1  }
0x23: {  	s22 =	sshll.u32 s17, $0xA;
	s21 =	simm.s32 @!p0 $0x0  }
0x24: {  	s22 =	sand.u32 $0xFFFFF800, s22;
	s21 =	sshll.u32 s21, $0xA  }
0x25: {  	s22 =	sor.u32 s21, s22  }
0x26: {  	s22 =	sshrl.u32 s22, $0x2  }
0x27: {  	v1 =	vmov s22;
	_ =	sdelay $0x1  }
0x28: {  	s31 =	sshrl.u32 s18, $0x1  }
0x29: {  	s21 =	sshrl.u32 s21, $0x2;
	s22 =	smul.u32 $0x186A0, s31  }
0x2a: {  	s23 =	sor.u32 $0x3600, s21;
	s24 =	sor.u32 $0x3400, s21;
	s21 =	simm.s32 $0x0  }
0x2b: {  	v3 =	vmov s24;
	v2 =	vmov s23;
	v4 =	vmov s22;
	s22 =	simm.s32 $0x40;
	v5 =	vld.idx.msk [tilespmem:v1+s21+$0x0 ss:$0x1], $0xffff  }
.LBB2_6:
0x2c: {  	p2 =	sne.s32 s22, $0x3C0;
	_ =	sdelay $0x4  }
.Ltmp2:
0x2d: {  	v6 =	vadd.s32 v4, v5;
	v5 =	vshll.u32 v5, $0x4;
	(pc) =	sbr.rel @p2 .LBB2_6-.Ltmp2, $4  }
0x2e: {  	v6 =	vshrl.u32 v6, $0x3  }
0x2f: {  	v5 =	vand.u32 $0x70, v5;
	[tilespmem:v3+s21+$0x0 ss:$0x1] =	vst.idx.msk $0xffff, v6  }
0x30: {  	[tilespmem:v2+s21+$0x0 ss:$0x1] =	vst.idx.msk $0xffff, v5;
	s21 =	sshra.s32 s22, $0x2  }
0x31: {  	s22 =	sadd.s32 $0x40, s22;
	v5 =	vld.idx.msk [tilespmem:v1+s21+$0x0 ss:$0x1], $0xffff  }
0x32: {  	_ =	sdelay $0x3  }
0x33: {  	v1 =	vadd.s32 v4, v5  }
0x34: {  	s22 =	sand.u32 $0x1, s18;
	v63 =	vshll.u32 v5, $0x4;
	v1 =	vshrl.u32 v1, $0x3  }
0x35: {  	p2 =	seq.s32 s22, $0x1;
	[tilespmem:v3+s21+$0x0 ss:$0x1] =	vst.idx.msk $0xffff, v1;
	v1 =	vand.u32 $0x70, v63  }
0x36: {  	s22 =	simm.s32 @p2 $0x3500;
	s23 =	simm.s32 @p2 $0xB800;
	[tilespmem:v2+s21+$0x0 ss:$0x1] =	vst.idx.msk $0xffff, v1;
	s21 =	simm.s32 @p2 $0x100  }
0x37: {  	[tilespmem:s23], [sflag:$0x2] =	stream.indirect.gather @p2 [hbm4b:s3+s21], $0x80, s22, s21, $0xb8;
	[tilespmem:$0x15800] =	vst v63  }
0x38: {  	s21 =	simm.s32 @!p2 $0x100;
	s22 =	simm.s32 @!p2 $0x3400;
	s23 =	simm.s32 @!p2 $0x3800  }
0x39: {  	[tilespmem:s23], [sflag:$0x1] =	stream.indirect.gather @!p2 [hbm4b:s3+s21], $0x80, s22, s21, $0xb8;
	[tilespmem:$0x15800] =	vst v63  }
0x3a: {  	p2 =	seq.s32 s20, $0x0  }
.Ltmp3:
0x3b: {  	_ = 	snop;
	(pc) =	sbr.rel @p2 .LBB2_9-.Ltmp3, $2  }
0x3c: {  	_ =	sdelay $0x2  }
0x3d: {  	s21 =	simm.s32 $0x1  }
.LBB2_8:
0x3e: {  	s21 =	simm.s32 $0x2  }
.LBB2_9:
0x3f: {  	_ =	swait.ge [sflag:s21], $0x8000  }
0x40: {  	p2 =	slt.u32 s19, $0x2;
	[sflag:s21] =	ssyncset.done $0x0  }
0x41: {  	s22 =	simm.s32 $0x1;
	s23 =	simm.s32 @!p2 $0x3;
	[sflag:s21] =	ssyncadd.s32 $0xFFFF8000  }
0x42: {  	s22 =	simm.s32 @!p1 $0x0;
	_ =	swait.ge @!p2 [sflag:s23], $0x1000  }
0x43: {  	s29 =	sshll.u32 s22, $0x8;
	[sflag:s23] =	ssyncset.done @!p2 $0x0  }
0x44: {  	s21 =	sor.u32 $0x3600, s29;
	[sflag:s23] =	ssyncadd.s32 @!p2 $0xFFFFF000  }
0x45: {  	v1 =	vld [tilespmem:s21+$0x0];
	_ =	sdelay $0x1  }
0x46: {  	s22 =	simm.s32 $0x0  }
0x47: {  	v2 =	vmov s22  }
0x48: {  	v2 =	vshll.u32 v2, $0x7  }
0x49: {  	v2 =	vor.u32 v0, v2;
	v3 =	vand.u32 $0xFFFFFFF8, v1  }
0x4a: {  	v4 =	vand.u32 $0x7, v1;
	v3 =	vadd.s32 v2, v3  }
0x4b: {  	v3 =	vor.u32 v4, v3;
	_ =	sdelay $0x2  }
0x4c: {  	s30 =	sshll.u32 s20, $0xF;
	v30 =	vadd.s32 $0x1, v1  }
0x4d: {  	s24 =	sor.u32 $0x3800, s30;
	v5 =	vand.u32 $0xFFFFFFF8, v30  }
0x4e: {  	v5 =	vadd.s32 v2, v5;
	v4 =	vand.u32 $0x7, v30;
	v6 =	vld.idx.msk [tilespmem:v3+s24+$0x0], $0xffff  }
0x4f: {  	s31 =	sshll.u32 s20, $0xC;
	v4 =	vor.u32 v4, v5  }
0x50: {  	s25 =	sand.u32 $0x400, s22;
	s23 =	sadd.s32 $0x13800, s31  }
0x51: {  	s26 =	sand.u32 $0x70, s22;
	s25 =	sadd.s32 s25, s23  }
0x52: {  	s25 =	sadd.s32 s26, s25;
	v31 =	vadd.s32 $0x2, v1  }
0x53: {  	v7 =	vand.u32 $0xFFFFFFF8, v31;
	[tilespmem:s25+$0x0] =	vst v6  }
0x54: {  	v32 =	vadd.s32 v2, v7;
	v5 =	vand.u32 $0x7, v31;
	v4 =	vld.idx.msk [tilespmem:v4+s24+$0x0], $0xffff  }
0x55: {  	v5 =	vor.u32 v5, v32;
	_ =	sdelay $0x2  }
0x56: {  	v33 =	vadd.s32 $0x3, v1  }
0x57: {  	v34 =	vand.u32 $0xFFFFFFF8, v33;
	[tilespmem:s25+$0x80] =	vst v4  }
0x58: {  	v35 =	vadd.s32 v2, v34;
	v6 =	vand.u32 $0x7, v33;
	v5 =	vld.idx.msk [tilespmem:v5+s24+$0x0], $0xffff  }
0x59: {  	v4 =	vor.u32 v6, v35;
	_ =	sdelay $0x2  }
0x5a: {  	v36 =	vadd.s32 $0x4, v1  }
0x5b: {  	v37 =	vand.u32 $0xFFFFFFF8, v36;
	[tilespmem:s25+$0x100] =	vst v5  }
0x5c: {  	v38 =	vadd.s32 v2, v37;
	v6 =	vand.u32 $0x7, v36;
	v4 =	vld.idx.msk [tilespmem:v4+s24+$0x0], $0xffff  }
0x5d: {  	v5 =	vor.u32 v6, v38;
	_ =	sdelay $0x2  }
0x5e: {  	v39 =	vadd.s32 $0x5, v1  }
0x5f: {  	v40 =	vand.u32 $0xFFFFFFF8, v39;
	[tilespmem:s25+$0x180] =	vst v4  }
0x60: {  	v41 =	vadd.s32 v2, v40;
	v6 =	vand.u32 $0x7, v39;
	v5 =	vld.idx.msk [tilespmem:v5+s24+$0x0], $0xffff  }
0x61: {  	v4 =	vor.u32 v6, v41;
	_ =	sdelay $0x2  }
0x62: {  	v42 =	vadd.s32 $0x6, v1  }
0x63: {  	v43 =	vand.u32 $0xFFFFFFF8, v42;
	[tilespmem:s25+$0x200] =	vst v5  }
0x64: {  	v44 =	vadd.s32 v2, v43;
	v6 =	vand.u32 $0x7, v42;
	v4 =	vld.idx.msk [tilespmem:v4+s24+$0x0], $0xffff  }
0x65: {  	v5 =	vor.u32 v6, v44;
	_ =	sdelay $0x2  }
0x66: {  	v45 =	vadd.s32 $0x7, v1  }
0x67: {  	v46 =	vand.u32 $0xFFFFFFF8, v45;
	[tilespmem:s25+$0x280] =	vst v4  }
0x68: {  	v47 =	vadd.s32 v2, v46;
	v6 =	vand.u32 $0x7, v45;
	v5 =	vld.idx.msk [tilespmem:v5+s24+$0x0], $0xffff  }
0x69: {  	v4 =	vor.u32 v6, v47;
	_ =	sdelay $0x3  }
0x6a: {  	[tilespmem:s25+$0x300] =	vst v5  }
0x6b: {  	v4 =	vld.idx.msk [tilespmem:v4+s24+$0x0], $0xffff  }
0x6c: {  	v3 =	vadd.s32 $0x8, v3;
	_ =	sdelay $0x2  }
0x6d: {  	v48 =	vadd.s32 $0x9, v1  }
0x6e: {  	v49 =	vand.u32 $0xFFFFFFF8, v48;
	[tilespmem:s25+$0x380] =	vst v4  }
0x6f: {  	v50 =	vadd.s32 v2, v49;
	v5 =	vand.u32 $0x7, v48;
	v3 =	vld.idx.msk [tilespmem:v3+s24+$0x0], $0xffff  }
0x70: {  	v4 =	vor.u32 v5, v50;
	_ =	sdelay $0x2  }
0x71: {  	v51 =	vadd.s32 $0xA, v1  }
0x72: {  	v52 =	vand.u32 $0xFFFFFFF8, v51;
	[tilespmem:s25+$0x800] =	vst v3  }
0x73: {  	v5 =	vand.u32 $0x7, v51;
	v3 =	vadd.s32 v2, v52;
	v4 =	vld.idx.msk [tilespmem:v4+s24+$0x0], $0xffff  }
0x74: {  	v3 =	vor.u32 v5, v3;
	_ =	sdelay $0x2  }
0x75: {  	v53 =	vadd.s32 $0xB, v1  }
0x76: {  	v54 =	vand.u32 $0xFFFFFFF8, v53;
	[tilespmem:s25+$0x880] =	vst v4  }
0x77: {  	v55 =	vadd.s32 v2, v54;
	v5 =	vand.u32 $0x7, v53;
	v3 =	vld.idx.msk [tilespmem:v3+s24+$0x0], $0xffff  }
0x78: {  	v4 =	vor.u32 v5, v55;
	_ =	sdelay $0x2  }
0x79: {  	v56 =	vadd.s32 $0xC, v1  }
0x7a: {  	v57 =	vand.u32 $0xFFFFFFF8, v56;
	[tilespmem:s25+$0x900] =	vst v3  }
0x7b: {  	v5 =	vand.u32 $0x7, v56;
	v3 =	vadd.s32 v2, v57;
	v4 =	vld.idx.msk [tilespmem:v4+s24+$0x0], $0xffff  }
0x7c: {  	v3 =	vor.u32 v5, v3;
	_ =	sdelay $0x2  }
0x7d: {  	v58 =	vadd.s32 $0xD, v1  }
0x7e: {  	v59 =	vand.u32 $0xFFFFFFF8, v58;
	[tilespmem:s25+$0x980] =	vst v4  }
0x7f: {  	v60 =	vadd.s32 v2, v59;
	v5 =	vand.u32 $0x7, v58;
	v3 =	vld.idx.msk [tilespmem:v3+s24+$0x0], $0xffff  }
0x80: {  	v4 =	vor.u32 v5, v60;
	_ =	sdelay $0x2  }
0x81: {  	v61 =	vadd.s32 $0xE, v1  }
0x82: {  	v62 =	vand.u32 $0xFFFFFFF8, v61;
	[tilespmem:s25+$0xA00] =	vst v3  }
0x83: {  	v5 =	vand.u32 $0x7, v61;
	v3 =	vadd.s32 v2, v62;
	v4 =	vld.idx.msk [tilespmem:v4+s24+$0x0], $0xffff  }
0x84: {  	v3 =	vor.u32 v5, v3;
	_ =	sdelay $0x2  }
0x85: {  	v1 =	vadd.s32 $0xF, v1  }
0x86: {  	v63 =	vand.u32 $0xFFFFFFF8, v1;
	[tilespmem:s25+$0xA80] =	vst v4  }
0x87: {  	v1 =	vand.u32 $0x7, v1;
	v2 =	vadd.s32 v2, v63;
	v3 =	vld.idx.msk [tilespmem:v3+s24+$0x0], $0xffff  }
0x88: {  	v1 =	vor.u32 v1, v2;
	_ =	sdelay $0x3  }
0x89: {  	[tilespmem:s25+$0xB00] =	vst v3  }
0x8a: {  	s26 =	simm.s32 $0x80;
	v1 =	vld.idx.msk [tilespmem:v1+s24+$0x0], $0xffff  }
.LBB2_10:
0x8b: {  	_ =	sdelay $0x3  }
0x8c: {  	p2 =	sne.s32 s26, $0x780;
	s22 =	sadd.s32 $0x10, s22;
	s21 =	sadd.s32 $0x10, s21;
	[tilespmem:s25+$0xB80] =	vst v1  }
0x8d: {  	s25 =	smov.u32 s26;
	s26 =	sadd.s32 $0x80, s26;
	v1 =	vld [tilespmem:s21+$0x0];
	_ =	sdelay $0x2  }
0x8e: {  	v2 =	vmov s22  }
0x8f: {  	v2 =	vshll.u32 v2, $0x7  }
0x90: {  	v8 =	vor.u32 v0, v2;
	v3 =	vand.u32 $0xFFFFFFF8, v1;
	v2 =	vadd.s32 $0x1, v1  }
0x91: {  	v4 =	vand.u32 $0x7, v1;
	v3 =	vadd.s32 v8, v3;
	v5 =	vand.u32 $0xFFFFFFF8, v2  }
0x92: {  	v6 =	vor.u32 v4, v3;
	v3 =	vadd.s32 v8, v5;
	v5 =	vadd.s32 $0x2, v1  }
0x93: {  	v9 =	vadd.s32 $0x3, v1;
	v10 =	vadd.s32 $0x4, v1;
	v4 =	vand.u32 $0xFFFFFFF8, v5  }
0x94: {  	v7 =	vand.u32 $0xFFFFFFF8, v10;
	v11 =	vadd.s32 v8, v4;
	v4 =	vand.u32 $0xFFFFFFF8, v9  }
0x95: {  	v14 =	vadd.s32 $0x5, v1;
	v13 =	vadd.s32 v8, v7;
	v12 =	vadd.s32 v8, v4  }
0x96: {  	v15 =	vadd.s32 $0x6, v1;
	v16 =	vadd.s32 $0x7, v1;
	v4 =	vand.u32 $0xFFFFFFF8, v14  }
0x97: {  	v18 =	vand.u32 $0xFFFFFFF8, v16;
	v17 =	vadd.s32 v8, v4;
	v4 =	vand.u32 $0xFFFFFFF8, v15;
	v7 =	vld.idx.msk [tilespmem:v6+s24+$0x0], $0xffff  }
0x98: {  	v2 =	vand.u32 $0x7, v2;
	v18 =	vadd.s32 v8, v18;
	v19 =	vadd.s32 v8, v4  }
0x99: {  	v20 =	vadd.s32 $0x9, v1;
	v21 =	vadd.s32 $0xA, v1;
	v3 =	vor.u32 v2, v3  }
0x9a: {  	s25 =	sand.u32 $0x400, s25;
	v22 =	vadd.s32 $0xB, v1;
	v2 =	vand.u32 $0xFFFFFFF8, v20;
	v4 =	vand.u32 $0xFFFFFFF8, v21  }
0x9b: {  	s28 =	sand.u32 $0x70, s22;
	s25 =	sadd.s32 s25, s23;
	v23 =	vadd.s32 v8, v2;
	v2 =	vand.u32 $0xFFFFFFF8, v22;
	v24 =	vadd.s32 v8, v4  }
0x9c: {  	s25 =	sadd.s32 s28, s25;
	v26 =	vadd.s32 $0xC, v1;
	v25 =	vadd.s32 v8, v2;
	v4 =	vadd.s32 $0xD, v1  }
0x9d: {  	v2 =	vadd.s32 $0xE, v1;
	v27 =	vand.u32 $0xFFFFFFF8, v4;
	[tilespmem:s25+$0x0] =	vst v7;
	v7 =	vand.u32 $0xFFFFFFF8, v26  }
0x9e: {  	v28 =	vld.idx.msk [tilespmem:v3+s24+$0x0], $0xffff;
	v29 =	vadd.s32 v8, v7;
	v7 =	vadd.s32 v8, v27;
	v3 =	vand.u32 $0xFFFFFFF8, v2  }
0x9f: {  	v1 =	vadd.s32 $0xF, v1;
	v27 =	vand.u32 $0x7, v5;
	v5 =	vadd.s32 v8, v3  }
0xa0: {  	v11 =	vor.u32 v27, v11;
	v3 =	vand.u32 $0xFFFFFFF8, v1  }
0xa1: {  	v3 =	vadd.s32 v8, v3;
	_ =	sdelay $0x2  }
0xa2: {  	[tilespmem:s25+$0x80] =	vst v28  }
0xa3: {  	v8 =	vld.idx.msk [tilespmem:v11+s24+$0x0], $0xffff  }
0xa4: {  	v9 =	vand.u32 $0x7, v9  }
0xa5: {  	v9 =	vor.u32 v9, v12;
	_ =	sdelay $0x3  }
0xa6: {  	[tilespmem:s25+$0x100] =	vst v8  }
0xa7: {  	v8 =	vld.idx.msk [tilespmem:v9+s24+$0x0], $0xffff  }
0xa8: {  	v9 =	vand.u32 $0x7, v10  }
0xa9: {  	v9 =	vor.u32 v9, v13;
	_ =	sdelay $0x3  }
0xaa: {  	[tilespmem:s25+$0x180] =	vst v8  }
0xab: {  	v8 =	vld.idx.msk [tilespmem:v9+s24+$0x0], $0xffff  }
0xac: {  	v9 =	vand.u32 $0x7, v14  }
0xad: {  	v9 =	vor.u32 v9, v17;
	_ =	sdelay $0x3  }
0xae: {  	[tilespmem:s25+$0x200] =	vst v8  }
0xaf: {  	v8 =	vld.idx.msk [tilespmem:v9+s24+$0x0], $0xffff  }
0xb0: {  	v9 =	vand.u32 $0x7, v15  }
0xb1: {  	v9 =	vor.u32 v9, v19;
	_ =	sdelay $0x3  }
0xb2: {  	[tilespmem:s25+$0x280] =	vst v8  }
0xb3: {  	v8 =	vld.idx.msk [tilespmem:v9+s24+$0x0], $0xffff  }
0xb4: {  	v9 =	vand.u32 $0x7, v16  }
0xb5: {  	v9 =	vor.u32 v9, v18;
	_ =	sdelay $0x3  }
0xb6: {  	[tilespmem:s25+$0x300] =	vst v8  }
0xb7: {  	v8 =	vld.idx.msk [tilespmem:v9+s24+$0x0], $0xffff;
	_ =	sdelay $0x1  }
0xb8: {  	v6 =	vadd.s32 $0x8, v6;
	_ =	sdelay $0x3  }
0xb9: {  	[tilespmem:s25+$0x380] =	vst v8  }
0xba: {  	v6 =	vld.idx.msk [tilespmem:v6+s24+$0x0], $0xffff  }
0xbb: {  	v8 =	vand.u32 $0x7, v20  }
0xbc: {  	v8 =	vor.u32 v8, v23;
	_ =	sdelay $0x3  }
0xbd: {  	[tilespmem:s25+$0x800] =	vst v6  }
0xbe: {  	v6 =	vld.idx.msk [tilespmem:v8+s24+$0x0], $0xffff  }
0xbf: {  	v8 =	vand.u32 $0x7, v21  }
0xc0: {  	v8 =	vor.u32 v8, v24;
	_ =	sdelay $0x3  }
0xc1: {  	[tilespmem:s25+$0x880] =	vst v6  }
0xc2: {  	v6 =	vld.idx.msk [tilespmem:v8+s24+$0x0], $0xffff  }
0xc3: {  	v8 =	vand.u32 $0x7, v22  }
0xc4: {  	v8 =	vor.u32 v8, v25;
	_ =	sdelay $0x3  }
0xc5: {  	[tilespmem:s25+$0x900] =	vst v6  }
0xc6: {  	v6 =	vld.idx.msk [tilespmem:v8+s24+$0x0], $0xffff  }
0xc7: {  	v8 =	vand.u32 $0x7, v26  }
0xc8: {  	v8 =	vor.u32 v8, v29;
	_ =	sdelay $0x3  }
0xc9: {  	[tilespmem:s25+$0x980] =	vst v6  }
0xca: {  	v6 =	vld.idx.msk [tilespmem:v8+s24+$0x0], $0xffff  }
0xcb: {  	v4 =	vand.u32 $0x7, v4  }
0xcc: {  	v4 =	vor.u32 v4, v7;
	_ =	sdelay $0x3  }
0xcd: {  	[tilespmem:s25+$0xA00] =	vst v6  }
0xce: {  	v4 =	vld.idx.msk [tilespmem:v4+s24+$0x0], $0xffff  }
0xcf: {  	v2 =	vand.u32 $0x7, v2  }
0xd0: {  	v2 =	vor.u32 v2, v5;
	_ =	sdelay $0x3  }
0xd1: {  	[tilespmem:s25+$0xA80] =	vst v4  }
0xd2: {  	v2 =	vld.idx.msk [tilespmem:v2+s24+$0x0], $0xffff  }
0xd3: {  	v1 =	vand.u32 $0x7, v1  }
0xd4: {  	v1 =	vor.u32 v1, v3  }
.Ltmp4:
0xd5: {  	(pc) =	sbr.rel @p2 .LBB2_10-.Ltmp4, $3  }
0xd6: {  	_ =	sdelay $0x1  }
0xd7: {  	[tilespmem:s25+$0xB00] =	vst v2  }
0xd8: {  	v1 =	vld.idx.msk [tilespmem:v1+s24+$0x0], $0xffff  }
0xd9: {  	_ = 	snop  }
0xda: {  	p2 =	sne.s32 s18, $0x34  }
.Ltmp5:
0xdb: {  	s19 =	sshll.u32 s19, $0xE;
	s20 =	sshll.u32 s20, $0x8;
	(pc) =	sbr.rel @p2 .LBB2_4-.Ltmp5, $4  }
0xdc: {  	s19 =	sand.u32 $0xF8000, s19;
	s20 =	sadd.s32 s20, s5  }
0xdd: {  	p0 =	por !p0, !p0;
	s19 =	sadd.s32 s19, s20;
	[tilespmem:s25+$0xB80] =	vst v1  }
0xde: {  	[hbm4b:s19+s13] =	stream.strided.scatter [tilespmem:s23], [sflag:$0x3], $0x1000, s14, s13, $0x38;
	[tilespmem:$0x15800] =	vst v63  }
0xdf: {  	s17 =	sadd.s32 $0x1, s17;
	p1 =	por !p1, !p1;
	s19 =	smov.u32 s18  }
0xe0: {  	s16 =	sadd.s32 $0x1, s16  }
0xe1: {  	_ =	swait.ge [sflag:s15], $0x1000;
	p0 =	sne.s32 s16, s6  }
.Ltmp6:
0xe2: {  	[sflag:s15] =	ssyncset.done $0x0;
	(pc) =	sbr.rel @p0 .LBB2_1-.Ltmp6, $4  }
0xe3: {  	[sflag:s15] =	ssyncadd.s32 $0xFFFFF000  }
0xe4: {  	_ =	swait.ge [sflag:s15], $0x1000  }
0xe5: {  	[sflag:s15] =	ssyncset.done $0x0  }
0xe6: {  	[sflag:s15] =	ssyncadd.s32 $0xFFFFF000  }
0xe7: {  	_ =	sfence.sel $0x180000  }
0xe8: {  	[bflag:$0x0] =	sbarrier.arrive $0xFFFF  }
0xe9: {  	p0 =	sne.s32 s1, $0x0;
	_ =	strace $0x90000047  }
0xea: {  	s0 =	sadd.s32 @!p0 $0x100000, s0;
	[bflag:$0x2] =	sbarrier.arrive $0xFFFF  }
0xeb: {  	[sflag:s0] =	ssyncadd.tile.s32 @!p0 $0x1;
	_ =	shalt  }
.Lfunc_end2:
_tile_overlayer_lowered:
.L_overlay_start_2:
0xec: {  	(tag) =	ssettag $0x2  }
0xed: {  	s0 =	rddreg [dreg:$0x0];
	s2 =	stileid.u32  }
0xee: {  	s1 =	rddreg [dreg:$0x1];
	p0 =	sne.s32 s2, $0x0  }
0xef: {  	s3 =	rddreg [dreg:$0x2];
	[bflag:$0x3] =	sbarrier.arrive $0xFFFF;
	s2 =	simm.s32 @!p0 $0x1C04  }
0xf0: {  	[timem:s3], [sflag:s2] =	dma.local @!p0 [hbm:s0], s1  }
0xf1: {  	s0 =	simm.s32 @!p0 $0x4  }
0xf2: {  	_ =	swait.ge @!p0 [sflag:s0], s1  }
0xf3: {  	s1 =	ssub.s32 @!p0 $0x0, s1;
	[sflag:s0] =	ssyncset.done @!p0 $0x0  }
0xf4: {  	[sflag:s0] =	ssyncadd.s32 @!p0 s1  }
0xf5: {  	[bflag:$0x3] =	sbarrier.arrive $0xFFFF  }
0xf6: {  	_ =	shalt  }

</sc_bundles>
